<compile_context>
chip_gen: v7x
topology: tpu7x:2x2x1
jax: 0.10.2.dev20260603
libtpu: 0.0.44.dev20260713+nightly
codegen_flags: <defaults>
</compile_context>

<pallas_src>
import functools

import jax
import jax.numpy as jnp
from jax import lax
from jax.experimental import pallas as pl
from jax.experimental.pallas import tpu as pltpu
from jax.experimental.pallas import tpu_sc as plsc

_BATCH = 4096
_SEQ = 50
_DIM = 128
_N = _BATCH * _SEQ
_NW = 32
_NSUB = 16
_ROWS_PER_W = _N // _NW
_CHUNK = 80
_NCHUNK = _ROWS_PER_W // _CHUNK
_NBUF = 4
_NSP = 4


def _sc_gather(idx_flat, weight):
    mesh = plsc.VectorSubcoreMesh(core_axis_name="c", subcore_axis_name="s")

    @functools.partial(
        pl.kernel,
        mesh=mesh,
        out_type=jax.ShapeDtypeStruct((_N, _DIM), jnp.float32),
        scratch_types=[
            pltpu.VMEM((_ROWS_PER_W,), jnp.int32),
            pltpu.VMEM((_NBUF, _CHUNK, _DIM), jnp.float32),
            pltpu.VMEM_SHARED((_NSUB, _NSP, _CHUNK, _DIM), jnp.float32),
            pltpu.SemaphoreType.DMA((_NBUF,)),
            pltpu.SemaphoreType.DMA((_NSP,)),
            pltpu.SemaphoreType.DMA((_NSP,)),
        ],
    )
    def k(idx_hbm, table_hbm, out_hbm, idx_v, rows_v, sp, gsem, xsem, ysem):
        cid = lax.axis_index("c")
        sid = lax.axis_index("s")
        wid = sid * 2 + cid
        base = wid * _ROWS_PER_W
        pltpu.sync_copy(idx_hbm.at[pl.ds(base, _ROWS_PER_W)], idx_v)

        def start_gather(c, b):
            pltpu.make_async_copy(
                table_hbm.at[idx_v.at[pl.ds(c * _CHUNK, _CHUNK)]],
                rows_v.at[b], gsem.at[b]).start()

        def wait_gather(c, b):
            pltpu.make_async_copy(
                table_hbm.at[idx_v.at[pl.ds(c * _CHUNK, _CHUNK)]],
                rows_v.at[b], gsem.at[b]).wait()

        def stage_x(c):
            pltpu.make_async_copy(
                rows_v.at[c % _NBUF], sp.at[sid, c % _NSP],
                xsem.at[c % _NSP]).start()

        def flush(c):
            m = c % _NSP
            pltpu.make_async_copy(
                rows_v.at[c % _NBUF], sp.at[sid, m], xsem.at[m]).wait()
            pltpu.make_async_copy(
                sp.at[sid, m],
                out_hbm.at[pl.ds(base + c * _CHUNK, _CHUNK)],
                ysem.at[m]).start()

        def wait_out(c):
            m = c % _NSP
            pltpu.make_async_copy(
                sp.at[sid, m],
                out_hbm.at[pl.ds(base + c * _CHUNK, _CHUNK)],
                ysem.at[m]).wait()

        start_gather(0, 0)
        start_gather(1, 1)
        wait_gather(0, 0)
        stage_x(0)
        start_gather(2, 2)
        wait_gather(1, 1)
        stage_x(1)
        flush(0)
        start_gather(3, 3)
        wait_gather(2, 2)
        stage_x(2)
        flush(1)
        start_gather(4, 0)
        wait_gather(3, 3)
        stage_x(3)
        flush(2)
        start_gather(5, 1)
        wait_gather(4, 0)
        wait_out(0)
        stage_x(4)
        flush(3)
        start_gather(6, 2)
        wait_gather(5, 1)
        wait_out(1)
        stage_x(5)
        flush(4)
        start_gather(7, 3)
        wait_gather(6, 2)
        wait_out(2)
        stage_x(6)
        flush(5)

        def group(g, carry):
            for b in range(_NBUF):
                c = g * _NBUF + b
                start_gather(c, b)
                wait_gather(c - 1, (b - 1) % _NBUF)
                wait_out(c - 1 - _NSP)
                stage_x(c - 1)
                flush(c - 2)
            return carry

        lax.fori_loop(2, _NCHUNK // _NBUF, group, 0)

        last = _NCHUNK - 1
        wait_gather(last, last % _NBUF)
        wait_out(last - _NSP)
        stage_x(last)
        flush(last - 1)
        flush(last)
        for c in range(_NCHUNK - _NSP, _NCHUNK):
            wait_out(c)

    return k(idx_flat, weight)


def kernel(input_ids, weight):
    idx_flat = jnp.transpose(input_ids).reshape(_N).astype(jnp.int32)
    out_flat = _sc_gather(idx_flat, weight)
    return out_flat.reshape(_SEQ, _BATCH, _DIM)

# --- scband reference (transcript-rebuilt; emitter-appended) ---
"""Pipeline reference for scband-vocab-parallel-embedding-40209483825824 (READ-ONLY COPY).

The authoritative reference and input builder live on the scoring server;
editing this copy changes nothing except your own understanding.
"""

import jax, jax.numpy as jnp
import numpy as np

NUM_EMBEDDINGS = 100000
EMBEDDING_DIM = 128
BATCH = 4096
SEQ = 50
# Single-device reference: world_size=1, rank=0 -> vocab_start=0, vocab_end=NUM_EMBEDDINGS,
# and reduce_scatter_to_sequence_parallel_region is the identity.
VOCAB_START = 0
VOCAB_END = NUM_EMBEDDINGS


def _xavier_uniform(key, shape):
    fan_in, fan_out = shape[0], shape[1]
    limit = float(np.sqrt(6.0 / (fan_in + fan_out)))
    return jax.random.uniform(key, shape, dtype=jnp.float32, minval=-limit, maxval=limit)


def setup_inputs(seed: int = 0) -> dict:
    key = jax.random.key(seed)
    k_ids, k_w = jax.random.split(key)
    input_ids = jax.random.randint(k_ids, (BATCH, SEQ), 0, NUM_EMBEDDINGS)
    weight = _xavier_uniform(k_w, (NUM_EMBEDDINGS, EMBEDDING_DIM))
    return {"input_ids": input_ids, "weight": weight}


def reference(input_ids, weight):
    # input_mask = (ids >= start) & (ids < end)
    input_mask = (input_ids >= VOCAB_START) & (input_ids < VOCAB_END)
    ids = input_ids - VOCAB_START
    ids = jnp.where(input_mask, ids, 0)
    # F.embedding -> gather rows
    output_parallel = jnp.take(weight, ids, axis=0)  # [B, S, D]
    output_parallel = jnp.where(input_mask[..., None], output_parallel, 0.0)
    # transpose(0, 1) -> [S, B, D]
    output_parallel = jnp.transpose(output_parallel, (1, 0, 2))
    # reduce_scatter_to_sequence_parallel_region: identity for world_size=1
    output = output_parallel
    return output

if __name__ == "__main__":
    import jax
    _d = setup_inputs()
    print(jax.jit(kernel)(*tuple(_d.values())))

</pallas_src>

<mosaic_0001>
#map = affine_map<(d0, d1) -> (0)>
#map1 = affine_map<(d0, d1) -> (0, 0)>
module attributes {stable_mosaic.version = 14 : i64} {
  func.func @k(%arg0: i32, %arg1: i32, %arg2: memref<204800xi32, #tpu.memory_space<hbm>>, %arg3: memref<100000x128xf32, #tpu.memory_space<hbm>>, %arg4: memref<204800x128xf32, #tpu.memory_space<hbm>>, %arg5: memref<6400xi32, #tpu.memory_space<vmem>>, %arg6: memref<4x80x128xf32, #tpu.memory_space<vmem>>, %arg7: memref<16x4x80x128xf32, #tpu.memory_space<vmem_shared>>, %arg8: memref<4x!tpu.dma_semaphore, #tpu.memory_space<semaphore_mem>>, %arg9: memref<4x!tpu.dma_semaphore, #tpu.memory_space<semaphore_mem>>, %arg10: memref<4x!tpu.dma_semaphore, #tpu.memory_space<semaphore_mem>>) attributes {dimension_semantics = [#tpu.dimension_semantics<core_parallel>, #tpu.dimension_semantics<subcore_parallel>], iteration_bounds = array<i64: 2, 16>, scalar_prefetch = 0 : i64, scratch_operands = 6 : i64, tpu.core_type = #tpu.core_type<sc_vector_subcore>, window_params = [{transform_indices = #map}, {transform_indices = #map1}, {transform_indices = #map1}]} {
    %mul3A = arith.constant 2 : i32
    %mul3A_0 = arith.muli %arg1, %mul3A : i32
    %add3A = arith.addi %mul3A_0, %arg0 : i32
    %mul3A_1 = arith.constant 6400 : i32
    %mul3A_2 = arith.muli %add3A, %mul3A_1 : i32
    "tpu.region"() ({
      %run_scoped3A = tpu.sem_alloc : memref<!tpu.dma_semaphore, #tpu.memory_space<semaphore_mem>>
      %dma_start3A_742 = tpu.memref_slice %arg2[%mul3A_2] : memref<204800xi32, #tpu.memory_space<hbm>> -> memref<6400xi32, #tpu.memory_space<hbm>>
      %dma_start3A_743 = tpu.memref_slice %arg2[%mul3A_2] : memref<204800xi32, #tpu.memory_space<hbm>> -> memref<6400xi32, #tpu.memory_space<hbm>>
      tpu.enqueue_dma source(%dma_start3A_743 : memref<6400xi32, #tpu.memory_space<hbm>>) target(%arg5 : memref<6400xi32, #tpu.memory_space<vmem>>) target_semaphore(%run_scoped3A : memref<!tpu.dma_semaphore, #tpu.memory_space<semaphore_mem>>)
      %dma_wait3A_744 = tpu.memref_slice %arg2[%mul3A_2] : memref<204800xi32, #tpu.memory_space<hbm>> -> memref<6400xi32, #tpu.memory_space<hbm>>
      %dma_wait3A_745 = tpu.memref_slice %arg2[%mul3A_2] : memref<204800xi32, #tpu.memory_space<hbm>> -> memref<6400xi32, #tpu.memory_space<hbm>>
      tpu.wait_dma2 semaphore(%run_scoped3A : memref<!tpu.dma_semaphore, #tpu.memory_space<semaphore_mem>>) src(%dma_wait3A_745 : memref<6400xi32, #tpu.memory_space<hbm>>) dst(%arg5 : memref<6400xi32, #tpu.memory_space<vmem>>)
      tpu.yield
    }) : () -> ()
    %dma_start3A = arith.constant 0 : i32
    %dma_start3A_3 = arith.constant 0 : i32
    %dma_start3A_4 = arith.constant 0 : i32
    %dma_start3A_5 = arith.constant 0 : i32
    %dma_start3A_6 = tpu.memref_slice %arg6[%dma_start3A, %dma_start3A_4, %dma_start3A_5] : memref<4x80x128xf32, #tpu.memory_space<vmem>> -> memref<1x80x128xf32, #tpu.memory_space<vmem>>
    %dma_start3A_7 = tpu.memref_squeeze %dma_start3A_6 : memref<1x80x128xf32, #tpu.memory_space<vmem>> -> memref<80x128xf32, #tpu.memory_space<vmem>>
    %dma_start3A_8 = arith.constant 0 : i32
    %dma_start3A_9 = tpu.memref_slice %arg5[%dma_start3A_8] : memref<6400xi32, #tpu.memory_space<vmem>> -> memref<80xi32, #tpu.memory_space<vmem>>
    %dma_start3A_10 = arith.constant 0 : i32
    %dma_start3A_11 = arith.constant 0 : i32
    %dma_start3A_12 = tpu.memref_slice %arg3[%dma_start3A_10, %dma_start3A_11] : memref<100000x128xf32, #tpu.memory_space<hbm>> -> memref<100000x128xf32, #tpu.memory_space<hbm>>
    %dma_start3A_13 = tpu.memref_slice %arg8[%dma_start3A_3] : memref<4x!tpu.dma_semaphore, #tpu.memory_space<semaphore_mem>> -> memref<1x!tpu.dma_semaphore, #tpu.memory_space<semaphore_mem>>
    %dma_start3A_14 = tpu.memref_squeeze %dma_start3A_13 : memref<1x!tpu.dma_semaphore, #tpu.memory_space<semaphore_mem>> -> memref<!tpu.dma_semaphore, #tpu.memory_space<semaphore_mem>>
    tpu.enqueue_indirect_dma source(%dma_start3A_12 : memref<100000x128xf32, #tpu.memory_space<hbm>>) target(%dma_start3A_7 : memref<80x128xf32, #tpu.memory_space<vmem>>) offsets(%dma_start3A_9 : memref<80xi32, #tpu.memory_space<vmem>>) semaphore(%dma_start3A_14 : memref<!tpu.dma_semaphore, #tpu.memory_space<semaphore_mem>>)
    %dma_start3A_15 = arith.constant 1 : i32
    %dma_start3A_16 = arith.constant 1 : i32
    %dma_start3A_17 = arith.constant 0 : i32
    %dma_start3A_18 = arith.constant 0 : i32
    %dma_start3A_19 = tpu.memref_slice %arg6[%dma_start3A_15, %dma_start3A_17, %dma_start3A_18] : memref<4x80x128xf32, #tpu.memory_space<vmem>> -> memref<1x80x128xf32, #tpu.memory_space<vmem>>
    %dma_start3A_20 = tpu.memref_squeeze %dma_start3A_19 : memref<1x80x128xf32, #tpu.memory_space<vmem>> -> memref<80x128xf32, #tpu.memory_space<vmem>>
    %dma_start3A_21 = arith.constant 80 : i32
    %dma_start3A_22 = tpu.memref_slice %arg5[%dma_start3A_21] : memref<6400xi32, #tpu.memory_space<vmem>> -> memref<80xi32, #tpu.memory_space<vmem>>
    %dma_start3A_23 = arith.constant 0 : i32
    %dma_start3A_24 = arith.constant 0 : i32
    %dma_start3A_25 = tpu.memref_slice %arg3[%dma_start3A_23, %dma_start3A_24] : memref<100000x128xf32, #tpu.memory_space<hbm>> -> memref<100000x128xf32, #tpu.memory_space<hbm>>
    %dma_start3A_26 = tpu.memref_slice %arg8[%dma_start3A_16] : memref<4x!tpu.dma_semaphore, #tpu.memory_space<semaphore_mem>> -> memref<1x!tpu.dma_semaphore, #tpu.memory_space<semaphore_mem>>
    %dma_start3A_27 = tpu.memref_squeeze %dma_start3A_26 : memref<1x!tpu.dma_semaphore, #tpu.memory_space<semaphore_mem>> -> memref<!tpu.dma_semaphore, #tpu.memory_space<semaphore_mem>>
    tpu.enqueue_indirect_dma source(%dma_start3A_25 : memref<100000x128xf32, #tpu.memory_space<hbm>>) target(%dma_start3A_20 : memref<80x128xf32, #tpu.memory_space<vmem>>) offsets(%dma_start3A_22 : memref<80xi32, #tpu.memory_space<vmem>>) semaphore(%dma_start3A_27 : memref<!tpu.dma_semaphore, #tpu.memory_space<semaphore_mem>>)
    %dma_wait3A = arith.constant 0 : i32
    %dma_wait3A_28 = arith.constant 0 : i32
    %dma_wait3A_29 = arith.constant 0 : i32
    %dma_wait3A_30 = arith.constant 0 : i32
    %dma_wait3A_31 = tpu.memref_slice %arg6[%dma_wait3A, %dma_wait3A_29, %dma_wait3A_30] : memref<4x80x128xf32, #tpu.memory_space<vmem>> -> memref<1x80x128xf32, #tpu.memory_space<vmem>>
    %dma_wait3A_32 = tpu.memref_squeeze %dma_wait3A_31 : memref<1x80x128xf32, #tpu.memory_space<vmem>> -> memref<80x128xf32, #tpu.memory_space<vmem>>
    %dma_wait3A_33 = arith.constant 0 : i32
    %dma_wait3A_34 = tpu.memref_slice %arg5[%dma_wait3A_33] : memref<6400xi32, #tpu.memory_space<vmem>> -> memref<80xi32, #tpu.memory_space<vmem>>
    %dma_wait3A_35 = arith.constant 0 : i32
    %dma_wait3A_36 = arith.constant 0 : i32
    %dma_wait3A_37 = tpu.memref_slice %arg3[%dma_wait3A_35, %dma_wait3A_36] : memref<100000x128xf32, #tpu.memory_space<hbm>> -> memref<100000x128xf32, #tpu.memory_space<hbm>>
    %dma_wait3A_38 = tpu.memref_slice %arg8[%dma_wait3A_28] : memref<4x!tpu.dma_semaphore, #tpu.memory_space<semaphore_mem>> -> memref<1x!tpu.dma_semaphore, #tpu.memory_space<semaphore_mem>>
    %dma_wait3A_39 = tpu.memref_squeeze %dma_wait3A_38 : memref<1x!tpu.dma_semaphore, #tpu.memory_space<semaphore_mem>> -> memref<!tpu.dma_semaphore, #tpu.memory_space<semaphore_mem>>
    tpu.wait_indirect_dma semaphore(%dma_wait3A_39 : memref<!tpu.dma_semaphore, #tpu.memory_space<semaphore_mem>>) src(%dma_wait3A_37 : memref<100000x128xf32, #tpu.memory_space<hbm>>) dst(%dma_wait3A_32 : memref<80x128xf32, #tpu.memory_space<vmem>>)
    %dma_start3A_40 = arith.constant 0 : i32
    %dma_start3A_41 = arith.constant 0 : i32
    %dma_start3A_42 = arith.constant 0 : i32
    %dma_start3A_43 = arith.constant 0 : i32
    %dma_start3A_44 = arith.constant 0 : i32
    %dma_start3A_45 = tpu.memref_slice %arg6[%dma_start3A_40, %dma_start3A_43, %dma_start3A_44] : memref<4x80x128xf32, #tpu.memory_space<vmem>> -> memref<1x80x128xf32, #tpu.memory_space<vmem>>
    %dma_start3A_46 = tpu.memref_squeeze %dma_start3A_45 : memref<1x80x128xf32, #tpu.memory_space<vmem>> -> memref<80x128xf32, #tpu.memory_space<vmem>>
    %dma_start3A_47 = arith.constant 0 : i32
    %dma_start3A_48 = arith.constant 0 : i32
    %dma_start3A_49 = tpu.memref_slice %arg7[%arg1, %dma_start3A_41, %dma_start3A_47, %dma_start3A_48] : memref<16x4x80x128xf32, #tpu.memory_space<vmem_shared>> -> memref<1x1x80x128xf32, #tpu.memory_space<vmem_shared>>
    %dma_start3A_50 = tpu.memref_squeeze %dma_start3A_49 : memref<1x1x80x128xf32, #tpu.memory_space<vmem_shared>> -> memref<80x128xf32, #tpu.memory_space<vmem_shared>>
    %dma_start3A_51 = tpu.memref_slice %arg9[%dma_start3A_42] : memref<4x!tpu.dma_semaphore, #tpu.memory_space<semaphore_mem>> -> memref<1x!tpu.dma_semaphore, #tpu.memory_space<semaphore_mem>>
    %dma_start3A_52 = tpu.memref_squeeze %dma_start3A_51 : memref<1x!tpu.dma_semaphore, #tpu.memory_space<semaphore_mem>> -> memref<!tpu.dma_semaphore, #tpu.memory_space<semaphore_mem>>
    %dma_start3A_53 = arith.constant 0 : i32
    %dma_start3A_54 = arith.constant 0 : i32
    %dma_start3A_55 = tpu.memref_slice %arg7[%arg1, %dma_start3A_41, %dma_start3A_53, %dma_start3A_54] : memref<16x4x80x128xf32, #tpu.memory_space<vmem_shared>> -> memref<1x1x80x128xf32, #tpu.memory_space<vmem_shared>>
    %dma_start3A_56 = tpu.memref_squeeze %dma_start3A_55 : memref<1x1x80x128xf32, #tpu.memory_space<vmem_shared>> -> memref<80x128xf32, #tpu.memory_space<vmem_shared>>
    %dma_start3A_57 = arith.constant 0 : i32
    %dma_start3A_58 = arith.constant 0 : i32
    %dma_start3A_59 = tpu.memref_slice %arg6[%dma_start3A_40, %dma_start3A_57, %dma_start3A_58] : memref<4x80x128xf32, #tpu.memory_space<vmem>> -> memref<1x80x128xf32, #tpu.memory_space<vmem>>
    %dma_start3A_60 = tpu.memref_squeeze %dma_start3A_59 : memref<1x80x128xf32, #tpu.memory_space<vmem>> -> memref<80x128xf32, #tpu.memory_space<vmem>>
    tpu.enqueue_dma source(%dma_start3A_60 : memref<80x128xf32, #tpu.memory_space<vmem>>) target(%dma_start3A_56 : memref<80x128xf32, #tpu.memory_space<vmem_shared>>) target_semaphore(%dma_start3A_52 : memref<!tpu.dma_semaphore, #tpu.memory_space<semaphore_mem>>)
    %dma_start3A_61 = arith.constant 2 : i32
    %dma_start3A_62 = arith.constant 2 : i32
    %dma_start3A_63 = arith.constant 0 : i32
    %dma_start3A_64 = arith.constant 0 : i32
    %dma_start3A_65 = tpu.memref_slice %arg6[%dma_start3A_61, %dma_start3A_63, %dma_start3A_64] : memref<4x80x128xf32, #tpu.memory_space<vmem>> -> memref<1x80x128xf32, #tpu.memory_space<vmem>>
    %dma_start3A_66 = tpu.memref_squeeze %dma_start3A_65 : memref<1x80x128xf32, #tpu.memory_space<vmem>> -> memref<80x128xf32, #tpu.memory_space<vmem>>
    %dma_start3A_67 = arith.constant 160 : i32
    %dma_start3A_68 = tpu.memref_slice %arg5[%dma_start3A_67] : memref<6400xi32, #tpu.memory_space<vmem>> -> memref<80xi32, #tpu.memory_space<vmem>>
    %dma_start3A_69 = arith.constant 0 : i32
    %dma_start3A_70 = arith.constant 0 : i32
    %dma_start3A_71 = tpu.memref_slice %arg3[%dma_start3A_69, %dma_start3A_70] : memref<100000x128xf32, #tpu.memory_space<hbm>> -> memref<100000x128xf32, #tpu.memory_space<hbm>>
    %dma_start3A_72 = tpu.memref_slice %arg8[%dma_start3A_62] : memref<4x!tpu.dma_semaphore, #tpu.memory_space<semaphore_mem>> -> memref<1x!tpu.dma_semaphore, #tpu.memory_space<semaphore_mem>>
    %dma_start3A_73 = tpu.memref_squeeze %dma_start3A_72 : memref<1x!tpu.dma_semaphore, #tpu.memory_space<semaphore_mem>> -> memref<!tpu.dma_semaphore, #tpu.memory_space<semaphore_mem>>
    tpu.enqueue_indirect_dma source(%dma_start3A_71 : memref<100000x128xf32, #tpu.memory_space<hbm>>) target(%dma_start3A_66 : memref<80x128xf32, #tpu.memory_space<vmem>>) offsets(%dma_start3A_68 : memref<80xi32, #tpu.memory_space<vmem>>) semaphore(%dma_start3A_73 : memref<!tpu.dma_semaphore, #tpu.memory_space<semaphore_mem>>)
    %dma_wait3A_74 = arith.constant 1 : i32
    %dma_wait3A_75 = arith.constant 1 : i32
    %dma_wait3A_76 = arith.constant 0 : i32
    %dma_wait3A_77 = arith.constant 0 : i32
    %dma_wait3A_78 = tpu.memref_slice %arg6[%dma_wait3A_74, %dma_wait3A_76, %dma_wait3A_77] : memref<4x80x128xf32, #tpu.memory_space<vmem>> -> memref<1x80x128xf32, #tpu.memory_space<vmem>>
    %dma_wait3A_79 = tpu.memref_squeeze %dma_wait3A_78 : memref<1x80x128xf32, #tpu.memory_space<vmem>> -> memref<80x128xf32, #tpu.memory_space<vmem>>
    %dma_wait3A_80 = arith.constant 80 : i32
    %dma_wait3A_81 = tpu.memref_slice %arg5[%dma_wait3A_80] : memref<6400xi32, #tpu.memory_space<vmem>> -> memref<80xi32, #tpu.memory_space<vmem>>
    %dma_wait3A_82 = arith.constant 0 : i32
    %dma_wait3A_83 = arith.constant 0 : i32
    %dma_wait3A_84 = tpu.memref_slice %arg3[%dma_wait3A_82, %dma_wait3A_83] : memref<100000x128xf32, #tpu.memory_space<hbm>> -> memref<100000x128xf32, #tpu.memory_space<hbm>>
    %dma_wait3A_85 = tpu.memref_slice %arg8[%dma_wait3A_75] : memref<4x!tpu.dma_semaphore, #tpu.memory_space<semaphore_mem>> -> memref<1x!tpu.dma_semaphore, #tpu.memory_space<semaphore_mem>>
    %dma_wait3A_86 = tpu.memref_squeeze %dma_wait3A_85 : memref<1x!tpu.dma_semaphore, #tpu.memory_space<semaphore_mem>> -> memref<!tpu.dma_semaphore, #tpu.memory_space<semaphore_mem>>
    tpu.wait_indirect_dma semaphore(%dma_wait3A_86 : memref<!tpu.dma_semaphore, #tpu.memory_space<semaphore_mem>>) src(%dma_wait3A_84 : memref<100000x128xf32, #tpu.memory_space<hbm>>) dst(%dma_wait3A_79 : memref<80x128xf32, #tpu.memory_space<vmem>>)
    %dma_start3A_87 = arith.constant 1 : i32
    %dma_start3A_88 = arith.constant 1 : i32
    %dma_start3A_89 = arith.constant 1 : i32
    %dma_start3A_90 = arith.constant 0 : i32
    %dma_start3A_91 = arith.constant 0 : i32
    %dma_start3A_92 = tpu.memref_slice %arg6[%dma_start3A_87, %dma_start3A_90, %dma_start3A_91] : memref<4x80x128xf32, #tpu.memory_space<vmem>> -> memref<1x80x128xf32, #tpu.memory_space<vmem>>
    %dma_start3A_93 = tpu.memref_squeeze %dma_start3A_92 : memref<1x80x128xf32, #tpu.memory_space<vmem>> -> memref<80x128xf32, #tpu.memory_space<vmem>>
    %dma_start3A_94 = arith.constant 0 : i32
    %dma_start3A_95 = arith.constant 0 : i32
    %dma_start3A_96 = tpu.memref_slice %arg7[%arg1, %dma_start3A_88, %dma_start3A_94, %dma_start3A_95] : memref<16x4x80x128xf32, #tpu.memory_space<vmem_shared>> -> memref<1x1x80x128xf32, #tpu.memory_space<vmem_shared>>
    %dma_start3A_97 = tpu.memref_squeeze %dma_start3A_96 : memref<1x1x80x128xf32, #tpu.memory_space<vmem_shared>> -> memref<80x128xf32, #tpu.memory_space<vmem_shared>>
    %dma_start3A_98 = tpu.memref_slice %arg9[%dma_start3A_89] : memref<4x!tpu.dma_semaphore, #tpu.memory_space<semaphore_mem>> -> memref<1x!tpu.dma_semaphore, #tpu.memory_space<semaphore_mem>>
    %dma_start3A_99 = tpu.memref_squeeze %dma_start3A_98 : memref<1x!tpu.dma_semaphore, #tpu.memory_space<semaphore_mem>> -> memref<!tpu.dma_semaphore, #tpu.memory_space<semaphore_mem>>
    %dma_start3A_100 = arith.constant 0 : i32
    %dma_start3A_101 = arith.constant 0 : i32
    %dma_start3A_102 = tpu.memref_slice %arg7[%arg1, %dma_start3A_88, %dma_start3A_100, %dma_start3A_101] : memref<16x4x80x128xf32, #tpu.memory_space<vmem_shared>> -> memref<1x1x80x128xf32, #tpu.memory_space<vmem_shared>>
    %dma_start3A_103 = tpu.memref_squeeze %dma_start3A_102 : memref<1x1x80x128xf32, #tpu.memory_space<vmem_shared>> -> memref<80x128xf32, #tpu.memory_space<vmem_shared>>
    %dma_start3A_104 = arith.constant 0 : i32
    %dma_start3A_105 = arith.constant 0 : i32
    %dma_start3A_106 = tpu.memref_slice %arg6[%dma_start3A_87, %dma_start3A_104, %dma_start3A_105] : memref<4x80x128xf32, #tpu.memory_space<vmem>> -> memref<1x80x128xf32, #tpu.memory_space<vmem>>
    %dma_start3A_107 = tpu.memref_squeeze %dma_start3A_106 : memref<1x80x128xf32, #tpu.memory_space<vmem>> -> memref<80x128xf32, #tpu.memory_space<vmem>>
    tpu.enqueue_dma source(%dma_start3A_107 : memref<80x128xf32, #tpu.memory_space<vmem>>) target(%dma_start3A_103 : memref<80x128xf32, #tpu.memory_space<vmem_shared>>) target_semaphore(%dma_start3A_99 : memref<!tpu.dma_semaphore, #tpu.memory_space<semaphore_mem>>)
    %dma_wait3A_108 = arith.constant 0 : i32
    %dma_wait3A_109 = arith.constant 0 : i32
    %dma_wait3A_110 = arith.constant 0 : i32
    %dma_wait3A_111 = arith.constant 0 : i32
    %dma_wait3A_112 = arith.constant 0 : i32
    %dma_wait3A_113 = tpu.memref_slice %arg6[%dma_wait3A_108, %dma_wait3A_111, %dma_wait3A_112] : memref<4x80x128xf32, #tpu.memory_space<vmem>> -> memref<1x80x128xf32, #tpu.memory_space<vmem>>
    %dma_wait3A_114 = tpu.memref_squeeze %dma_wait3A_113 : memref<1x80x128xf32, #tpu.memory_space<vmem>> -> memref<80x128xf32, #tpu.memory_space<vmem>>
    %dma_wait3A_115 = arith.constant 0 : i32
    %dma_wait3A_116 = arith.constant 0 : i32
    %dma_wait3A_117 = tpu.memref_slice %arg7[%arg1, %dma_wait3A_109, %dma_wait3A_115, %dma_wait3A_116] : memref<16x4x80x128xf32, #tpu.memory_space<vmem_shared>> -> memref<1x1x80x128xf32, #tpu.memory_space<vmem_shared>>
    %dma_wait3A_118 = tpu.memref_squeeze %dma_wait3A_117 : memref<1x1x80x128xf32, #tpu.memory_space<vmem_shared>> -> memref<80x128xf32, #tpu.memory_space<vmem_shared>>
    %dma_wait3A_119 = tpu.memref_slice %arg9[%dma_wait3A_110] : memref<4x!tpu.dma_semaphore, #tpu.memory_space<semaphore_mem>> -> memref<1x!tpu.dma_semaphore, #tpu.memory_space<semaphore_mem>>
    %dma_wait3A_120 = tpu.memref_squeeze %dma_wait3A_119 : memref<1x!tpu.dma_semaphore, #tpu.memory_space<semaphore_mem>> -> memref<!tpu.dma_semaphore, #tpu.memory_space<semaphore_mem>>
    %dma_wait3A_121 = arith.constant 0 : i32
    %dma_wait3A_122 = arith.constant 0 : i32
    %dma_wait3A_123 = tpu.memref_slice %arg7[%arg1, %dma_wait3A_109, %dma_wait3A_121, %dma_wait3A_122] : memref<16x4x80x128xf32, #tpu.memory_space<vmem_shared>> -> memref<1x1x80x128xf32, #tpu.memory_space<vmem_shared>>
    %dma_wait3A_124 = tpu.memref_squeeze %dma_wait3A_123 : memref<1x1x80x128xf32, #tpu.memory_space<vmem_shared>> -> memref<80x128xf32, #tpu.memory_space<vmem_shared>>
    %dma_wait3A_125 = arith.constant 0 : i32
    %dma_wait3A_126 = arith.constant 0 : i32
    %dma_wait3A_127 = tpu.memref_slice %arg6[%dma_wait3A_108, %dma_wait3A_125, %dma_wait3A_126] : memref<4x80x128xf32, #tpu.memory_space<vmem>> -> memref<1x80x128xf32, #tpu.memory_space<vmem>>
    %dma_wait3A_128 = tpu.memref_squeeze %dma_wait3A_127 : memref<1x80x128xf32, #tpu.memory_space<vmem>> -> memref<80x128xf32, #tpu.memory_space<vmem>>
    tpu.wait_dma2 semaphore(%dma_wait3A_120 : memref<!tpu.dma_semaphore, #tpu.memory_space<semaphore_mem>>) src(%dma_wait3A_128 : memref<80x128xf32, #tpu.memory_space<vmem>>) dst(%dma_wait3A_124 : memref<80x128xf32, #tpu.memory_space<vmem_shared>>)
    %add3A_129 = arith.constant 0 : i32
    %add3A_130 = arith.addi %mul3A_2, %add3A_129 : i32
    %dma_start3A_131 = arith.constant 0 : i32
    %dma_start3A_132 = arith.constant 0 : i32
    %dma_start3A_133 = tpu.memref_slice %arg10[%dma_start3A_132] : memref<4x!tpu.dma_semaphore, #tpu.memory_space<semaphore_mem>> -> memref<1x!tpu.dma_semaphore, #tpu.memory_space<semaphore_mem>>
    %dma_start3A_134 = tpu.memref_squeeze %dma_start3A_133 : memref<1x!tpu.dma_semaphore, #tpu.memory_space<semaphore_mem>> -> memref<!tpu.dma_semaphore, #tpu.memory_space<semaphore_mem>>
    %dma_start3A_135 = arith.constant 0 : i32
    %dma_start3A_136 = tpu.memref_slice %arg4[%add3A_130, %dma_start3A_135] : memref<204800x128xf32, #tpu.memory_space<hbm>> -> memref<80x128xf32, #tpu.memory_space<hbm>>
    %dma_start3A_137 = arith.constant 0 : i32
    %dma_start3A_138 = arith.constant 0 : i32
    %dma_start3A_139 = tpu.memref_slice %arg7[%arg1, %dma_start3A_131, %dma_start3A_137, %dma_start3A_138] : memref<16x4x80x128xf32, #tpu.memory_space<vmem_shared>> -> memref<1x1x80x128xf32, #tpu.memory_space<vmem_shared>>
    %dma_start3A_140 = tpu.memref_squeeze %dma_start3A_139 : memref<1x1x80x128xf32, #tpu.memory_space<vmem_shared>> -> memref<80x128xf32, #tpu.memory_space<vmem_shared>>
    tpu.enqueue_dma source(%dma_start3A_140 : memref<80x128xf32, #tpu.memory_space<vmem_shared>>) target(%dma_start3A_136 : memref<80x128xf32, #tpu.memory_space<hbm>>) target_semaphore(%dma_start3A_134 : memref<!tpu.dma_semaphore, #tpu.memory_space<semaphore_mem>>)
    %dma_start3A_141 = arith.constant 3 : i32
    %dma_start3A_142 = arith.constant 3 : i32
    %dma_start3A_143 = arith.constant 0 : i32
    %dma_start3A_144 = arith.constant 0 : i32
    %dma_start3A_145 = tpu.memref_slice %arg6[%dma_start3A_141, %dma_start3A_143, %dma_start3A_144] : memref<4x80x128xf32, #tpu.memory_space<vmem>> -> memref<1x80x128xf32, #tpu.memory_space<vmem>>
    %dma_start3A_146 = tpu.memref_squeeze %dma_start3A_145 : memref<1x80x128xf32, #tpu.memory_space<vmem>> -> memref<80x128xf32, #tpu.memory_space<vmem>>
    %dma_start3A_147 = arith.constant 240 : i32
    %dma_start3A_148 = tpu.memref_slice %arg5[%dma_start3A_147] : memref<6400xi32, #tpu.memory_space<vmem>> -> memref<80xi32, #tpu.memory_space<vmem>>
    %dma_start3A_149 = arith.constant 0 : i32
    %dma_start3A_150 = arith.constant 0 : i32
    %dma_start3A_151 = tpu.memref_slice %arg3[%dma_start3A_149, %dma_start3A_150] : memref<100000x128xf32, #tpu.memory_space<hbm>> -> memref<100000x128xf32, #tpu.memory_space<hbm>>
    %dma_start3A_152 = tpu.memref_slice %arg8[%dma_start3A_142] : memref<4x!tpu.dma_semaphore, #tpu.memory_space<semaphore_mem>> -> memref<1x!tpu.dma_semaphore, #tpu.memory_space<semaphore_mem>>
    %dma_start3A_153 = tpu.memref_squeeze %dma_start3A_152 : memref<1x!tpu.dma_semaphore, #tpu.memory_space<semaphore_mem>> -> memref<!tpu.dma_semaphore, #tpu.memory_space<semaphore_mem>>
    tpu.enqueue_indirect_dma source(%dma_start3A_151 : memref<100000x128xf32, #tpu.memory_space<hbm>>) target(%dma_start3A_146 : memref<80x128xf32, #tpu.memory_space<vmem>>) offsets(%dma_start3A_148 : memref<80xi32, #tpu.memory_space<vmem>>) semaphore(%dma_start3A_153 : memref<!tpu.dma_semaphore, #tpu.memory_space<semaphore_mem>>)
    %dma_wait3A_154 = arith.constant 2 : i32
    %dma_wait3A_155 = arith.constant 2 : i32
    %dma_wait3A_156 = arith.constant 0 : i32
    %dma_wait3A_157 = arith.constant 0 : i32
    %dma_wait3A_158 = tpu.memref_slice %arg6[%dma_wait3A_154, %dma_wait3A_156, %dma_wait3A_157] : memref<4x80x128xf32, #tpu.memory_space<vmem>> -> memref<1x80x128xf32, #tpu.memory_space<vmem>>
    %dma_wait3A_159 = tpu.memref_squeeze %dma_wait3A_158 : memref<1x80x128xf32, #tpu.memory_space<vmem>> -> memref<80x128xf32, #tpu.memory_space<vmem>>
    %dma_wait3A_160 = arith.constant 160 : i32
    %dma_wait3A_161 = tpu.memref_slice %arg5[%dma_wait3A_160] : memref<6400xi32, #tpu.memory_space<vmem>> -> memref<80xi32, #tpu.memory_space<vmem>>
    %dma_wait3A_162 = arith.constant 0 : i32
    %dma_wait3A_163 = arith.constant 0 : i32
    %dma_wait3A_164 = tpu.memref_slice %arg3[%dma_wait3A_162, %dma_wait3A_163] : memref<100000x128xf32, #tpu.memory_space<hbm>> -> memref<100000x128xf32, #tpu.memory_space<hbm>>
    %dma_wait3A_165 = tpu.memref_slice %arg8[%dma_wait3A_155] : memref<4x!tpu.dma_semaphore, #tpu.memory_space<semaphore_mem>> -> memref<1x!tpu.dma_semaphore, #tpu.memory_space<semaphore_mem>>
    %dma_wait3A_166 = tpu.memref_squeeze %dma_wait3A_165 : memref<1x!tpu.dma_semaphore, #tpu.memory_space<semaphore_mem>> -> memref<!tpu.dma_semaphore, #tpu.memory_space<semaphore_mem>>
    tpu.wait_indirect_dma semaphore(%dma_wait3A_166 : memref<!tpu.dma_semaphore, #tpu.memory_space<semaphore_mem>>) src(%dma_wait3A_164 : memref<100000x128xf32, #tpu.memory_space<hbm>>) dst(%dma_wait3A_159 : memref<80x128xf32, #tpu.memory_space<vmem>>)
    %dma_start3A_167 = arith.constant 2 : i32
    %dma_start3A_168 = arith.constant 2 : i32
    %dma_start3A_169 = arith.constant 2 : i32
    %dma_start3A_170 = arith.constant 0 : i32
    %dma_start3A_171 = arith.constant 0 : i32
    %dma_start3A_172 = tpu.memref_slice %arg6[%dma_start3A_167, %dma_start3A_170, %dma_start3A_171] : memref<4x80x128xf32, #tpu.memory_space<vmem>> -> memref<1x80x128xf32, #tpu.memory_space<vmem>>
    %dma_start3A_173 = tpu.memref_squeeze %dma_start3A_172 : memref<1x80x128xf32, #tpu.memory_space<vmem>> -> memref<80x128xf32, #tpu.memory_space<vmem>>
    %dma_start3A_174 = arith.constant 0 : i32
    %dma_start3A_175 = arith.constant 0 : i32
    %dma_start3A_176 = tpu.memref_slice %arg7[%arg1, %dma_start3A_168, %dma_start3A_174, %dma_start3A_175] : memref<16x4x80x128xf32, #tpu.memory_space<vmem_shared>> -> memref<1x1x80x128xf32, #tpu.memory_space<vmem_shared>>
    %dma_start3A_177 = tpu.memref_squeeze %dma_start3A_176 : memref<1x1x80x128xf32, #tpu.memory_space<vmem_shared>> -> memref<80x128xf32, #tpu.memory_space<vmem_shared>>
    %dma_start3A_178 = tpu.memref_slice %arg9[%dma_start3A_169] : memref<4x!tpu.dma_semaphore, #tpu.memory_space<semaphore_mem>> -> memref<1x!tpu.dma_semaphore, #tpu.memory_space<semaphore_mem>>
    %dma_start3A_179 = tpu.memref_squeeze %dma_start3A_178 : memref<1x!tpu.dma_semaphore, #tpu.memory_space<semaphore_mem>> -> memref<!tpu.dma_semaphore, #tpu.memory_space<semaphore_mem>>
    %dma_start3A_180 = arith.constant 0 : i32
    %dma_start3A_181 = arith.constant 0 : i32
    %dma_start3A_182 = tpu.memref_slice %arg7[%arg1, %dma_start3A_168, %dma_start3A_180, %dma_start3A_181] : memref<16x4x80x128xf32, #tpu.memory_space<vmem_shared>> -> memref<1x1x80x128xf32, #tpu.memory_space<vmem_shared>>
    %dma_start3A_183 = tpu.memref_squeeze %dma_start3A_182 : memref<1x1x80x128xf32, #tpu.memory_space<vmem_shared>> -> memref<80x128xf32, #tpu.memory_space<vmem_shared>>
    %dma_start3A_184 = arith.constant 0 : i32
    %dma_start3A_185 = arith.constant 0 : i32
    %dma_start3A_186 = tpu.memref_slice %arg6[%dma_start3A_167, %dma_start3A_184, %dma_start3A_185] : memref<4x80x128xf32, #tpu.memory_space<vmem>> -> memref<1x80x128xf32, #tpu.memory_space<vmem>>
    %dma_start3A_187 = tpu.memref_squeeze %dma_start3A_186 : memref<1x80x128xf32, #tpu.memory_space<vmem>> -> memref<80x128xf32, #tpu.memory_space<vmem>>
    tpu.enqueue_dma source(%dma_start3A_187 : memref<80x128xf32, #tpu.memory_space<vmem>>) target(%dma_start3A_183 : memref<80x128xf32, #tpu.memory_space<vmem_shared>>) target_semaphore(%dma_start3A_179 : memref<!tpu.dma_semaphore, #tpu.memory_space<semaphore_mem>>)
    %dma_wait3A_188 = arith.constant 1 : i32
    %dma_wait3A_189 = arith.constant 1 : i32
    %dma_wait3A_190 = arith.constant 1 : i32
    %dma_wait3A_191 = arith.constant 0 : i32
    %dma_wait3A_192 = arith.constant 0 : i32
    %dma_wait3A_193 = tpu.memref_slice %arg6[%dma_wait3A_188, %dma_wait3A_191, %dma_wait3A_192] : memref<4x80x128xf32, #tpu.memory_space<vmem>> -> memref<1x80x128xf32, #tpu.memory_space<vmem>>
    %dma_wait3A_194 = tpu.memref_squeeze %dma_wait3A_193 : memref<1x80x128xf32, #tpu.memory_space<vmem>> -> memref<80x128xf32, #tpu.memory_space<vmem>>
    %dma_wait3A_195 = arith.constant 0 : i32
    %dma_wait3A_196 = arith.constant 0 : i32
    %dma_wait3A_197 = tpu.memref_slice %arg7[%arg1, %dma_wait3A_189, %dma_wait3A_195, %dma_wait3A_196] : memref<16x4x80x128xf32, #tpu.memory_space<vmem_shared>> -> memref<1x1x80x128xf32, #tpu.memory_space<vmem_shared>>
    %dma_wait3A_198 = tpu.memref_squeeze %dma_wait3A_197 : memref<1x1x80x128xf32, #tpu.memory_space<vmem_shared>> -> memref<80x128xf32, #tpu.memory_space<vmem_shared>>
    %dma_wait3A_199 = tpu.memref_slice %arg9[%dma_wait3A_190] : memref<4x!tpu.dma_semaphore, #tpu.memory_space<semaphore_mem>> -> memref<1x!tpu.dma_semaphore, #tpu.memory_space<semaphore_mem>>
    %dma_wait3A_200 = tpu.memref_squeeze %dma_wait3A_199 : memref<1x!tpu.dma_semaphore, #tpu.memory_space<semaphore_mem>> -> memref<!tpu.dma_semaphore, #tpu.memory_space<semaphore_mem>>
    %dma_wait3A_201 = arith.constant 0 : i32
    %dma_wait3A_202 = arith.constant 0 : i32
    %dma_wait3A_203 = tpu.memref_slice %arg7[%arg1, %dma_wait3A_189, %dma_wait3A_201, %dma_wait3A_202] : memref<16x4x80x128xf32, #tpu.memory_space<vmem_shared>> -> memref<1x1x80x128xf32, #tpu.memory_space<vmem_shared>>
    %dma_wait3A_204 = tpu.memref_squeeze %dma_wait3A_203 : memref<1x1x80x128xf32, #tpu.memory_space<vmem_shared>> -> memref<80x128xf32, #tpu.memory_space<vmem_shared>>
    %dma_wait3A_205 = arith.constant 0 : i32
    %dma_wait3A_206 = arith.constant 0 : i32
    %dma_wait3A_207 = tpu.memref_slice %arg6[%dma_wait3A_188, %dma_wait3A_205, %dma_wait3A_206] : memref<4x80x128xf32, #tpu.memory_space<vmem>> -> memref<1x80x128xf32, #tpu.memory_space<vmem>>
    %dma_wait3A_208 = tpu.memref_squeeze %dma_wait3A_207 : memref<1x80x128xf32, #tpu.memory_space<vmem>> -> memref<80x128xf32, #tpu.memory_space<vmem>>
    tpu.wait_dma2 semaphore(%dma_wait3A_200 : memref<!tpu.dma_semaphore, #tpu.memory_space<semaphore_mem>>) src(%dma_wait3A_208 : memref<80x128xf32, #tpu.memory_space<vmem>>) dst(%dma_wait3A_204 : memref<80x128xf32, #tpu.memory_space<vmem_shared>>)
    %add3A_209 = arith.constant 80 : i32
    %add3A_210 = arith.addi %mul3A_2, %add3A_209 : i32
    %dma_start3A_211 = arith.constant 1 : i32
    %dma_start3A_212 = arith.constant 1 : i32
    %dma_start3A_213 = tpu.memref_slice %arg10[%dma_start3A_212] : memref<4x!tpu.dma_semaphore, #tpu.memory_space<semaphore_mem>> -> memref<1x!tpu.dma_semaphore, #tpu.memory_space<semaphore_mem>>
    %dma_start3A_214 = tpu.memref_squeeze %dma_start3A_213 : memref<1x!tpu.dma_semaphore, #tpu.memory_space<semaphore_mem>> -> memref<!tpu.dma_semaphore, #tpu.memory_space<semaphore_mem>>
    %dma_start3A_215 = arith.constant 0 : i32
    %dma_start3A_216 = tpu.memref_slice %arg4[%add3A_210, %dma_start3A_215] : memref<204800x128xf32, #tpu.memory_space<hbm>> -> memref<80x128xf32, #tpu.memory_space<hbm>>
    %dma_start3A_217 = arith.constant 0 : i32
    %dma_start3A_218 = arith.constant 0 : i32
    %dma_start3A_219 = tpu.memref_slice %arg7[%arg1, %dma_start3A_211, %dma_start3A_217, %dma_start3A_218] : memref<16x4x80x128xf32, #tpu.memory_space<vmem_shared>> -> memref<1x1x80x128xf32, #tpu.memory_space<vmem_shared>>
    %dma_start3A_220 = tpu.memref_squeeze %dma_start3A_219 : memref<1x1x80x128xf32, #tpu.memory_space<vmem_shared>> -> memref<80x128xf32, #tpu.memory_space<vmem_shared>>
    tpu.enqueue_dma source(%dma_start3A_220 : memref<80x128xf32, #tpu.memory_space<vmem_shared>>) target(%dma_start3A_216 : memref<80x128xf32, #tpu.memory_space<hbm>>) target_semaphore(%dma_start3A_214 : memref<!tpu.dma_semaphore, #tpu.memory_space<semaphore_mem>>)
    %dma_start3A_221 = arith.constant 0 : i32
    %dma_start3A_222 = arith.constant 0 : i32
    %dma_start3A_223 = arith.constant 0 : i32
    %dma_start3A_224 = arith.constant 0 : i32
    %dma_start3A_225 = tpu.memref_slice %arg6[%dma_start3A_221, %dma_start3A_223, %dma_start3A_224] : memref<4x80x128xf32, #tpu.memory_space<vmem>> -> memref<1x80x128xf32, #tpu.memory_space<vmem>>
    %dma_start3A_226 = tpu.memref_squeeze %dma_start3A_225 : memref<1x80x128xf32, #tpu.memory_space<vmem>> -> memref<80x128xf32, #tpu.memory_space<vmem>>
    %dma_start3A_227 = arith.constant 320 : i32
    %dma_start3A_228 = tpu.memref_slice %arg5[%dma_start3A_227] : memref<6400xi32, #tpu.memory_space<vmem>> -> memref<80xi32, #tpu.memory_space<vmem>>
    %dma_start3A_229 = arith.constant 0 : i32
    %dma_start3A_230 = arith.constant 0 : i32
    %dma_start3A_231 = tpu.memref_slice %arg3[%dma_start3A_229, %dma_start3A_230] : memref<100000x128xf32, #tpu.memory_space<hbm>> -> memref<100000x128xf32, #tpu.memory_space<hbm>>
    %dma_start3A_232 = tpu.memref_slice %arg8[%dma_start3A_222] : memref<4x!tpu.dma_semaphore, #tpu.memory_space<semaphore_mem>> -> memref<1x!tpu.dma_semaphore, #tpu.memory_space<semaphore_mem>>
    %dma_start3A_233 = tpu.memref_squeeze %dma_start3A_232 : memref<1x!tpu.dma_semaphore, #tpu.memory_space<semaphore_mem>> -> memref<!tpu.dma_semaphore, #tpu.memory_space<semaphore_mem>>
    tpu.enqueue_indirect_dma source(%dma_start3A_231 : memref<100000x128xf32, #tpu.memory_space<hbm>>) target(%dma_start3A_226 : memref<80x128xf32, #tpu.memory_space<vmem>>) offsets(%dma_start3A_228 : memref<80xi32, #tpu.memory_space<vmem>>) semaphore(%dma_start3A_233 : memref<!tpu.dma_semaphore, #tpu.memory_space<semaphore_mem>>)
    %dma_wait3A_234 = arith.constant 3 : i32
    %dma_wait3A_235 = arith.constant 3 : i32
    %dma_wait3A_236 = arith.constant 0 : i32
    %dma_wait3A_237 = arith.constant 0 : i32
    %dma_wait3A_238 = tpu.memref_slice %arg6[%dma_wait3A_234, %dma_wait3A_236, %dma_wait3A_237] : memref<4x80x128xf32, #tpu.memory_space<vmem>> -> memref<1x80x128xf32, #tpu.memory_space<vmem>>
    %dma_wait3A_239 = tpu.memref_squeeze %dma_wait3A_238 : memref<1x80x128xf32, #tpu.memory_space<vmem>> -> memref<80x128xf32, #tpu.memory_space<vmem>>
    %dma_wait3A_240 = arith.constant 240 : i32
    %dma_wait3A_241 = tpu.memref_slice %arg5[%dma_wait3A_240] : memref<6400xi32, #tpu.memory_space<vmem>> -> memref<80xi32, #tpu.memory_space<vmem>>
    %dma_wait3A_242 = arith.constant 0 : i32
    %dma_wait3A_243 = arith.constant 0 : i32
    %dma_wait3A_244 = tpu.memref_slice %arg3[%dma_wait3A_242, %dma_wait3A_243] : memref<100000x128xf32, #tpu.memory_space<hbm>> -> memref<100000x128xf32, #tpu.memory_space<hbm>>
    %dma_wait3A_245 = tpu.memref_slice %arg8[%dma_wait3A_235] : memref<4x!tpu.dma_semaphore, #tpu.memory_space<semaphore_mem>> -> memref<1x!tpu.dma_semaphore, #tpu.memory_space<semaphore_mem>>
    %dma_wait3A_246 = tpu.memref_squeeze %dma_wait3A_245 : memref<1x!tpu.dma_semaphore, #tpu.memory_space<semaphore_mem>> -> memref<!tpu.dma_semaphore, #tpu.memory_space<semaphore_mem>>
    tpu.wait_indirect_dma semaphore(%dma_wait3A_246 : memref<!tpu.dma_semaphore, #tpu.memory_space<semaphore_mem>>) src(%dma_wait3A_244 : memref<100000x128xf32, #tpu.memory_space<hbm>>) dst(%dma_wait3A_239 : memref<80x128xf32, #tpu.memory_space<vmem>>)
    %dma_start3A_247 = arith.constant 3 : i32
    %dma_start3A_248 = arith.constant 3 : i32
    %dma_start3A_249 = arith.constant 3 : i32
    %dma_start3A_250 = arith.constant 0 : i32
    %dma_start3A_251 = arith.constant 0 : i32
    %dma_start3A_252 = tpu.memref_slice %arg6[%dma_start3A_247, %dma_start3A_250, %dma_start3A_251] : memref<4x80x128xf32, #tpu.memory_space<vmem>> -> memref<1x80x128xf32, #tpu.memory_space<vmem>>
    %dma_start3A_253 = tpu.memref_squeeze %dma_start3A_252 : memref<1x80x128xf32, #tpu.memory_space<vmem>> -> memref<80x128xf32, #tpu.memory_space<vmem>>
    %dma_start3A_254 = arith.constant 0 : i32
    %dma_start3A_255 = arith.constant 0 : i32
    %dma_start3A_256 = tpu.memref_slice %arg7[%arg1, %dma_start3A_248, %dma_start3A_254, %dma_start3A_255] : memref<16x4x80x128xf32, #tpu.memory_space<vmem_shared>> -> memref<1x1x80x128xf32, #tpu.memory_space<vmem_shared>>
    %dma_start3A_257 = tpu.memref_squeeze %dma_start3A_256 : memref<1x1x80x128xf32, #tpu.memory_space<vmem_shared>> -> memref<80x128xf32, #tpu.memory_space<vmem_shared>>
    %dma_start3A_258 = tpu.memref_slice %arg9[%dma_start3A_249] : memref<4x!tpu.dma_semaphore, #tpu.memory_space<semaphore_mem>> -> memref<1x!tpu.dma_semaphore, #tpu.memory_space<semaphore_mem>>
    %dma_start3A_259 = tpu.memref_squeeze %dma_start3A_258 : memref<1x!tpu.dma_semaphore, #tpu.memory_space<semaphore_mem>> -> memref<!tpu.dma_semaphore, #tpu.memory_space<semaphore_mem>>
    %dma_start3A_260 = arith.constant 0 : i32
    %dma_start3A_261 = arith.constant 0 : i32
    %dma_start3A_262 = tpu.memref_slice %arg7[%arg1, %dma_start3A_248, %dma_start3A_260, %dma_start3A_261] : memref<16x4x80x128xf32, #tpu.memory_space<vmem_shared>> -> memref<1x1x80x128xf32, #tpu.memory_space<vmem_shared>>
    %dma_start3A_263 = tpu.memref_squeeze %dma_start3A_262 : memref<1x1x80x128xf32, #tpu.memory_space<vmem_shared>> -> memref<80x128xf32, #tpu.memory_space<vmem_shared>>
    %dma_start3A_264 = arith.constant 0 : i32
    %dma_start3A_265 = arith.constant 0 : i32
    %dma_start3A_266 = tpu.memref_slice %arg6[%dma_start3A_247, %dma_start3A_264, %dma_start3A_265] : memref<4x80x128xf32, #tpu.memory_space<vmem>> -> memref<1x80x128xf32, #tpu.memory_space<vmem>>
    %dma_start3A_267 = tpu.memref_squeeze %dma_start3A_266 : memref<1x80x128xf32, #tpu.memory_space<vmem>> -> memref<80x128xf32, #tpu.memory_space<vmem>>
    tpu.enqueue_dma source(%dma_start3A_267 : memref<80x128xf32, #tpu.memory_space<vmem>>) target(%dma_start3A_263 : memref<80x128xf32, #tpu.memory_space<vmem_shared>>) target_semaphore(%dma_start3A_259 : memref<!tpu.dma_semaphore, #tpu.memory_space<semaphore_mem>>)
    %dma_wait3A_268 = arith.constant 2 : i32
    %dma_wait3A_269 = arith.constant 2 : i32
    %dma_wait3A_270 = arith.constant 2 : i32
    %dma_wait3A_271 = arith.constant 0 : i32
    %dma_wait3A_272 = arith.constant 0 : i32
    %dma_wait3A_273 = tpu.memref_slice %arg6[%dma_wait3A_268, %dma_wait3A_271, %dma_wait3A_272] : memref<4x80x128xf32, #tpu.memory_space<vmem>> -> memref<1x80x128xf32, #tpu.memory_space<vmem>>
    %dma_wait3A_274 = tpu.memref_squeeze %dma_wait3A_273 : memref<1x80x128xf32, #tpu.memory_space<vmem>> -> memref<80x128xf32, #tpu.memory_space<vmem>>
    %dma_wait3A_275 = arith.constant 0 : i32
    %dma_wait3A_276 = arith.constant 0 : i32
    %dma_wait3A_277 = tpu.memref_slice %arg7[%arg1, %dma_wait3A_269, %dma_wait3A_275, %dma_wait3A_276] : memref<16x4x80x128xf32, #tpu.memory_space<vmem_shared>> -> memref<1x1x80x128xf32, #tpu.memory_space<vmem_shared>>
    %dma_wait3A_278 = tpu.memref_squeeze %dma_wait3A_277 : memref<1x1x80x128xf32, #tpu.memory_space<vmem_shared>> -> memref<80x128xf32, #tpu.memory_space<vmem_shared>>
    %dma_wait3A_279 = tpu.memref_slice %arg9[%dma_wait3A_270] : memref<4x!tpu.dma_semaphore, #tpu.memory_space<semaphore_mem>> -> memref<1x!tpu.dma_semaphore, #tpu.memory_space<semaphore_mem>>
    %dma_wait3A_280 = tpu.memref_squeeze %dma_wait3A_279 : memref<1x!tpu.dma_semaphore, #tpu.memory_space<semaphore_mem>> -> memref<!tpu.dma_semaphore, #tpu.memory_space<semaphore_mem>>
    %dma_wait3A_281 = arith.constant 0 : i32
    %dma_wait3A_282 = arith.constant 0 : i32
    %dma_wait3A_283 = tpu.memref_slice %arg7[%arg1, %dma_wait3A_269, %dma_wait3A_281, %dma_wait3A_282] : memref<16x4x80x128xf32, #tpu.memory_space<vmem_shared>> -> memref<1x1x80x128xf32, #tpu.memory_space<vmem_shared>>
    %dma_wait3A_284 = tpu.memref_squeeze %dma_wait3A_283 : memref<1x1x80x128xf32, #tpu.memory_space<vmem_shared>> -> memref<80x128xf32, #tpu.memory_space<vmem_shared>>
    %dma_wait3A_285 = arith.constant 0 : i32
    %dma_wait3A_286 = arith.constant 0 : i32
    %dma_wait3A_287 = tpu.memref_slice %arg6[%dma_wait3A_268, %dma_wait3A_285, %dma_wait3A_286] : memref<4x80x128xf32, #tpu.memory_space<vmem>> -> memref<1x80x128xf32, #tpu.memory_space<vmem>>
    %dma_wait3A_288 = tpu.memref_squeeze %dma_wait3A_287 : memref<1x80x128xf32, #tpu.memory_space<vmem>> -> memref<80x128xf32, #tpu.memory_space<vmem>>
    tpu.wait_dma2 semaphore(%dma_wait3A_280 : memref<!tpu.dma_semaphore, #tpu.memory_space<semaphore_mem>>) src(%dma_wait3A_288 : memref<80x128xf32, #tpu.memory_space<vmem>>) dst(%dma_wait3A_284 : memref<80x128xf32, #tpu.memory_space<vmem_shared>>)
    %add3A_289 = arith.constant 160 : i32
    %add3A_290 = arith.addi %mul3A_2, %add3A_289 : i32
    %dma_start3A_291 = arith.constant 2 : i32
    %dma_start3A_292 = arith.constant 2 : i32
    %dma_start3A_293 = tpu.memref_slice %arg10[%dma_start3A_292] : memref<4x!tpu.dma_semaphore, #tpu.memory_space<semaphore_mem>> -> memref<1x!tpu.dma_semaphore, #tpu.memory_space<semaphore_mem>>
    %dma_start3A_294 = tpu.memref_squeeze %dma_start3A_293 : memref<1x!tpu.dma_semaphore, #tpu.memory_space<semaphore_mem>> -> memref<!tpu.dma_semaphore, #tpu.memory_space<semaphore_mem>>
    %dma_start3A_295 = arith.constant 0 : i32
    %dma_start3A_296 = tpu.memref_slice %arg4[%add3A_290, %dma_start3A_295] : memref<204800x128xf32, #tpu.memory_space<hbm>> -> memref<80x128xf32, #tpu.memory_space<hbm>>
    %dma_start3A_297 = arith.constant 0 : i32
    %dma_start3A_298 = arith.constant 0 : i32
    %dma_start3A_299 = tpu.memref_slice %arg7[%arg1, %dma_start3A_291, %dma_start3A_297, %dma_start3A_298] : memref<16x4x80x128xf32, #tpu.memory_space<vmem_shared>> -> memref<1x1x80x128xf32, #tpu.memory_space<vmem_shared>>
    %dma_start3A_300 = tpu.memref_squeeze %dma_start3A_299 : memref<1x1x80x128xf32, #tpu.memory_space<vmem_shared>> -> memref<80x128xf32, #tpu.memory_space<vmem_shared>>
    tpu.enqueue_dma source(%dma_start3A_300 : memref<80x128xf32, #tpu.memory_space<vmem_shared>>) target(%dma_start3A_296 : memref<80x128xf32, #tpu.memory_space<hbm>>) target_semaphore(%dma_start3A_294 : memref<!tpu.dma_semaphore, #tpu.memory_space<semaphore_mem>>)
    %dma_start3A_301 = arith.constant 1 : i32
    %dma_start3A_302 = arith.constant 1 : i32
    %dma_start3A_303 = arith.constant 0 : i32
    %dma_start3A_304 = arith.constant 0 : i32
    %dma_start3A_305 = tpu.memref_slice %arg6[%dma_start3A_301, %dma_start3A_303, %dma_start3A_304] : memref<4x80x128xf32, #tpu.memory_space<vmem>> -> memref<1x80x128xf32, #tpu.memory_space<vmem>>
    %dma_start3A_306 = tpu.memref_squeeze %dma_start3A_305 : memref<1x80x128xf32, #tpu.memory_space<vmem>> -> memref<80x128xf32, #tpu.memory_space<vmem>>
    %dma_start3A_307 = arith.constant 400 : i32
    %dma_start3A_308 = tpu.memref_slice %arg5[%dma_start3A_307] : memref<6400xi32, #tpu.memory_space<vmem>> -> memref<80xi32, #tpu.memory_space<vmem>>
    %dma_start3A_309 = arith.constant 0 : i32
    %dma_start3A_310 = arith.constant 0 : i32
    %dma_start3A_311 = tpu.memref_slice %arg3[%dma_start3A_309, %dma_start3A_310] : memref<100000x128xf32, #tpu.memory_space<hbm>> -> memref<100000x128xf32, #tpu.memory_space<hbm>>
    %dma_start3A_312 = tpu.memref_slice %arg8[%dma_start3A_302] : memref<4x!tpu.dma_semaphore, #tpu.memory_space<semaphore_mem>> -> memref<1x!tpu.dma_semaphore, #tpu.memory_space<semaphore_mem>>
    %dma_start3A_313 = tpu.memref_squeeze %dma_start3A_312 : memref<1x!tpu.dma_semaphore, #tpu.memory_space<semaphore_mem>> -> memref<!tpu.dma_semaphore, #tpu.memory_space<semaphore_mem>>
    tpu.enqueue_indirect_dma source(%dma_start3A_311 : memref<100000x128xf32, #tpu.memory_space<hbm>>) target(%dma_start3A_306 : memref<80x128xf32, #tpu.memory_space<vmem>>) offsets(%dma_start3A_308 : memref<80xi32, #tpu.memory_space<vmem>>) semaphore(%dma_start3A_313 : memref<!tpu.dma_semaphore, #tpu.memory_space<semaphore_mem>>)
    %dma_wait3A_314 = arith.constant 0 : i32
    %dma_wait3A_315 = arith.constant 0 : i32
    %dma_wait3A_316 = arith.constant 0 : i32
    %dma_wait3A_317 = arith.constant 0 : i32
    %dma_wait3A_318 = tpu.memref_slice %arg6[%dma_wait3A_314, %dma_wait3A_316, %dma_wait3A_317] : memref<4x80x128xf32, #tpu.memory_space<vmem>> -> memref<1x80x128xf32, #tpu.memory_space<vmem>>
    %dma_wait3A_319 = tpu.memref_squeeze %dma_wait3A_318 : memref<1x80x128xf32, #tpu.memory_space<vmem>> -> memref<80x128xf32, #tpu.memory_space<vmem>>
    %dma_wait3A_320 = arith.constant 320 : i32
    %dma_wait3A_321 = tpu.memref_slice %arg5[%dma_wait3A_320] : memref<6400xi32, #tpu.memory_space<vmem>> -> memref<80xi32, #tpu.memory_space<vmem>>
    %dma_wait3A_322 = arith.constant 0 : i32
    %dma_wait3A_323 = arith.constant 0 : i32
    %dma_wait3A_324 = tpu.memref_slice %arg3[%dma_wait3A_322, %dma_wait3A_323] : memref<100000x128xf32, #tpu.memory_space<hbm>> -> memref<100000x128xf32, #tpu.memory_space<hbm>>
    %dma_wait3A_325 = tpu.memref_slice %arg8[%dma_wait3A_315] : memref<4x!tpu.dma_semaphore, #tpu.memory_space<semaphore_mem>> -> memref<1x!tpu.dma_semaphore, #tpu.memory_space<semaphore_mem>>
    %dma_wait3A_326 = tpu.memref_squeeze %dma_wait3A_325 : memref<1x!tpu.dma_semaphore, #tpu.memory_space<semaphore_mem>> -> memref<!tpu.dma_semaphore, #tpu.memory_space<semaphore_mem>>
    tpu.wait_indirect_dma semaphore(%dma_wait3A_326 : memref<!tpu.dma_semaphore, #tpu.memory_space<semaphore_mem>>) src(%dma_wait3A_324 : memref<100000x128xf32, #tpu.memory_space<hbm>>) dst(%dma_wait3A_319 : memref<80x128xf32, #tpu.memory_space<vmem>>)
    %add3A_327 = arith.constant 0 : i32
    %add3A_328 = arith.addi %mul3A_2, %add3A_327 : i32
    %dma_wait3A_329 = arith.constant 0 : i32
    %dma_wait3A_330 = arith.constant 0 : i32
    %dma_wait3A_331 = tpu.memref_slice %arg10[%dma_wait3A_330] : memref<4x!tpu.dma_semaphore, #tpu.memory_space<semaphore_mem>> -> memref<1x!tpu.dma_semaphore, #tpu.memory_space<semaphore_mem>>
    %dma_wait3A_332 = tpu.memref_squeeze %dma_wait3A_331 : memref<1x!tpu.dma_semaphore, #tpu.memory_space<semaphore_mem>> -> memref<!tpu.dma_semaphore, #tpu.memory_space<semaphore_mem>>
    %dma_wait3A_333 = arith.constant 0 : i32
    %dma_wait3A_334 = tpu.memref_slice %arg4[%add3A_328, %dma_wait3A_333] : memref<204800x128xf32, #tpu.memory_space<hbm>> -> memref<80x128xf32, #tpu.memory_space<hbm>>
    %dma_wait3A_335 = arith.constant 0 : i32
    %dma_wait3A_336 = arith.constant 0 : i32
    %dma_wait3A_337 = tpu.memref_slice %arg7[%arg1, %dma_wait3A_329, %dma_wait3A_335, %dma_wait3A_336] : memref<16x4x80x128xf32, #tpu.memory_space<vmem_shared>> -> memref<1x1x80x128xf32, #tpu.memory_space<vmem_shared>>
    %dma_wait3A_338 = tpu.memref_squeeze %dma_wait3A_337 : memref<1x1x80x128xf32, #tpu.memory_space<vmem_shared>> -> memref<80x128xf32, #tpu.memory_space<vmem_shared>>
    tpu.wait_dma2 semaphore(%dma_wait3A_332 : memref<!tpu.dma_semaphore, #tpu.memory_space<semaphore_mem>>) src(%dma_wait3A_338 : memref<80x128xf32, #tpu.memory_space<vmem_shared>>) dst(%dma_wait3A_334 : memref<80x128xf32, #tpu.memory_space<hbm>>)
    %dma_start3A_339 = arith.constant 0 : i32
    %dma_start3A_340 = arith.constant 0 : i32
    %dma_start3A_341 = arith.constant 0 : i32
    %dma_start3A_342 = arith.constant 0 : i32
    %dma_start3A_343 = arith.constant 0 : i32
    %dma_start3A_344 = tpu.memref_slice %arg6[%dma_start3A_339, %dma_start3A_342, %dma_start3A_343] : memref<4x80x128xf32, #tpu.memory_space<vmem>> -> memref<1x80x128xf32, #tpu.memory_space<vmem>>
    %dma_start3A_345 = tpu.memref_squeeze %dma_start3A_344 : memref<1x80x128xf32, #tpu.memory_space<vmem>> -> memref<80x128xf32, #tpu.memory_space<vmem>>
    %dma_start3A_346 = arith.constant 0 : i32
    %dma_start3A_347 = arith.constant 0 : i32
    %dma_start3A_348 = tpu.memref_slice %arg7[%arg1, %dma_start3A_340, %dma_start3A_346, %dma_start3A_347] : memref<16x4x80x128xf32, #tpu.memory_space<vmem_shared>> -> memref<1x1x80x128xf32, #tpu.memory_space<vmem_shared>>
    %dma_start3A_349 = tpu.memref_squeeze %dma_start3A_348 : memref<1x1x80x128xf32, #tpu.memory_space<vmem_shared>> -> memref<80x128xf32, #tpu.memory_space<vmem_shared>>
    %dma_start3A_350 = tpu.memref_slice %arg9[%dma_start3A_341] : memref<4x!tpu.dma_semaphore, #tpu.memory_space<semaphore_mem>> -> memref<1x!tpu.dma_semaphore, #tpu.memory_space<semaphore_mem>>
    %dma_start3A_351 = tpu.memref_squeeze %dma_start3A_350 : memref<1x!tpu.dma_semaphore, #tpu.memory_space<semaphore_mem>> -> memref<!tpu.dma_semaphore, #tpu.memory_space<semaphore_mem>>
    %dma_start3A_352 = arith.constant 0 : i32
    %dma_start3A_353 = arith.constant 0 : i32
    %dma_start3A_354 = tpu.memref_slice %arg7[%arg1, %dma_start3A_340, %dma_start3A_352, %dma_start3A_353] : memref<16x4x80x128xf32, #tpu.memory_space<vmem_shared>> -> memref<1x1x80x128xf32, #tpu.memory_space<vmem_shared>>
    %dma_start3A_355 = tpu.memref_squeeze %dma_start3A_354 : memref<1x1x80x128xf32, #tpu.memory_space<vmem_shared>> -> memref<80x128xf32, #tpu.memory_space<vmem_shared>>
    %dma_start3A_356 = arith.constant 0 : i32
    %dma_start3A_357 = arith.constant 0 : i32
    %dma_start3A_358 = tpu.memref_slice %arg6[%dma_start3A_339, %dma_start3A_356, %dma_start3A_357] : memref<4x80x128xf32, #tpu.memory_space<vmem>> -> memref<1x80x128xf32, #tpu.memory_space<vmem>>
    %dma_start3A_359 = tpu.memref_squeeze %dma_start3A_358 : memref<1x80x128xf32, #tpu.memory_space<vmem>> -> memref<80x128xf32, #tpu.memory_space<vmem>>
    tpu.enqueue_dma source(%dma_start3A_359 : memref<80x128xf32, #tpu.memory_space<vmem>>) target(%dma_start3A_355 : memref<80x128xf32, #tpu.memory_space<vmem_shared>>) target_semaphore(%dma_start3A_351 : memref<!tpu.dma_semaphore, #tpu.memory_space<semaphore_mem>>)
    %dma_wait3A_360 = arith.constant 3 : i32
    %dma_wait3A_361 = arith.constant 3 : i32
    %dma_wait3A_362 = arith.constant 3 : i32
    %dma_wait3A_363 = arith.constant 0 : i32
    %dma_wait3A_364 = arith.constant 0 : i32
    %dma_wait3A_365 = tpu.memref_slice %arg6[%dma_wait3A_360, %dma_wait3A_363, %dma_wait3A_364] : memref<4x80x128xf32, #tpu.memory_space<vmem>> -> memref<1x80x128xf32, #tpu.memory_space<vmem>>
    %dma_wait3A_366 = tpu.memref_squeeze %dma_wait3A_365 : memref<1x80x128xf32, #tpu.memory_space<vmem>> -> memref<80x128xf32, #tpu.memory_space<vmem>>
    %dma_wait3A_367 = arith.constant 0 : i32
    %dma_wait3A_368 = arith.constant 0 : i32
    %dma_wait3A_369 = tpu.memref_slice %arg7[%arg1, %dma_wait3A_361, %dma_wait3A_367, %dma_wait3A_368] : memref<16x4x80x128xf32, #tpu.memory_space<vmem_shared>> -> memref<1x1x80x128xf32, #tpu.memory_space<vmem_shared>>
    %dma_wait3A_370 = tpu.memref_squeeze %dma_wait3A_369 : memref<1x1x80x128xf32, #tpu.memory_space<vmem_shared>> -> memref<80x128xf32, #tpu.memory_space<vmem_shared>>
    %dma_wait3A_371 = tpu.memref_slice %arg9[%dma_wait3A_362] : memref<4x!tpu.dma_semaphore, #tpu.memory_space<semaphore_mem>> -> memref<1x!tpu.dma_semaphore, #tpu.memory_space<semaphore_mem>>
    %dma_wait3A_372 = tpu.memref_squeeze %dma_wait3A_371 : memref<1x!tpu.dma_semaphore, #tpu.memory_space<semaphore_mem>> -> memref<!tpu.dma_semaphore, #tpu.memory_space<semaphore_mem>>
    %dma_wait3A_373 = arith.constant 0 : i32
    %dma_wait3A_374 = arith.constant 0 : i32
    %dma_wait3A_375 = tpu.memref_slice %arg7[%arg1, %dma_wait3A_361, %dma_wait3A_373, %dma_wait3A_374] : memref<16x4x80x128xf32, #tpu.memory_space<vmem_shared>> -> memref<1x1x80x128xf32, #tpu.memory_space<vmem_shared>>
    %dma_wait3A_376 = tpu.memref_squeeze %dma_wait3A_375 : memref<1x1x80x128xf32, #tpu.memory_space<vmem_shared>> -> memref<80x128xf32, #tpu.memory_space<vmem_shared>>
    %dma_wait3A_377 = arith.constant 0 : i32
    %dma_wait3A_378 = arith.constant 0 : i32
    %dma_wait3A_379 = tpu.memref_slice %arg6[%dma_wait3A_360, %dma_wait3A_377, %dma_wait3A_378] : memref<4x80x128xf32, #tpu.memory_space<vmem>> -> memref<1x80x128xf32, #tpu.memory_space<vmem>>
    %dma_wait3A_380 = tpu.memref_squeeze %dma_wait3A_379 : memref<1x80x128xf32, #tpu.memory_space<vmem>> -> memref<80x128xf32, #tpu.memory_space<vmem>>
    tpu.wait_dma2 semaphore(%dma_wait3A_372 : memref<!tpu.dma_semaphore, #tpu.memory_space<semaphore_mem>>) src(%dma_wait3A_380 : memref<80x128xf32, #tpu.memory_space<vmem>>) dst(%dma_wait3A_376 : memref<80x128xf32, #tpu.memory_space<vmem_shared>>)
    %add3A_381 = arith.constant 240 : i32
    %add3A_382 = arith.addi %mul3A_2, %add3A_381 : i32
    %dma_start3A_383 = arith.constant 3 : i32
    %dma_start3A_384 = arith.constant 3 : i32
    %dma_start3A_385 = tpu.memref_slice %arg10[%dma_start3A_384] : memref<4x!tpu.dma_semaphore, #tpu.memory_space<semaphore_mem>> -> memref<1x!tpu.dma_semaphore, #tpu.memory_space<semaphore_mem>>
    %dma_start3A_386 = tpu.memref_squeeze %dma_start3A_385 : memref<1x!tpu.dma_semaphore, #tpu.memory_space<semaphore_mem>> -> memref<!tpu.dma_semaphore, #tpu.memory_space<semaphore_mem>>
    %dma_start3A_387 = arith.constant 0 : i32
    %dma_start3A_388 = tpu.memref_slice %arg4[%add3A_382, %dma_start3A_387] : memref<204800x128xf32, #tpu.memory_space<hbm>> -> memref<80x128xf32, #tpu.memory_space<hbm>>
    %dma_start3A_389 = arith.constant 0 : i32
    %dma_start3A_390 = arith.constant 0 : i32
    %dma_start3A_391 = tpu.memref_slice %arg7[%arg1, %dma_start3A_383, %dma_start3A_389, %dma_start3A_390] : memref<16x4x80x128xf32, #tpu.memory_space<vmem_shared>> -> memref<1x1x80x128xf32, #tpu.memory_space<vmem_shared>>
    %dma_start3A_392 = tpu.memref_squeeze %dma_start3A_391 : memref<1x1x80x128xf32, #tpu.memory_space<vmem_shared>> -> memref<80x128xf32, #tpu.memory_space<vmem_shared>>
    tpu.enqueue_dma source(%dma_start3A_392 : memref<80x128xf32, #tpu.memory_space<vmem_shared>>) target(%dma_start3A_388 : memref<80x128xf32, #tpu.memory_space<hbm>>) target_semaphore(%dma_start3A_386 : memref<!tpu.dma_semaphore, #tpu.memory_space<semaphore_mem>>)
    %dma_start3A_393 = arith.constant 2 : i32
    %dma_start3A_394 = arith.constant 2 : i32
    %dma_start3A_395 = arith.constant 0 : i32
    %dma_start3A_396 = arith.constant 0 : i32
    %dma_start3A_397 = tpu.memref_slice %arg6[%dma_start3A_393, %dma_start3A_395, %dma_start3A_396] : memref<4x80x128xf32, #tpu.memory_space<vmem>> -> memref<1x80x128xf32, #tpu.memory_space<vmem>>
    %dma_start3A_398 = tpu.memref_squeeze %dma_start3A_397 : memref<1x80x128xf32, #tpu.memory_space<vmem>> -> memref<80x128xf32, #tpu.memory_space<vmem>>
    %dma_start3A_399 = arith.constant 480 : i32
    %dma_start3A_400 = tpu.memref_slice %arg5[%dma_start3A_399] : memref<6400xi32, #tpu.memory_space<vmem>> -> memref<80xi32, #tpu.memory_space<vmem>>
    %dma_start3A_401 = arith.constant 0 : i32
    %dma_start3A_402 = arith.constant 0 : i32
    %dma_start3A_403 = tpu.memref_slice %arg3[%dma_start3A_401, %dma_start3A_402] : memref<100000x128xf32, #tpu.memory_space<hbm>> -> memref<100000x128xf32, #tpu.memory_space<hbm>>
    %dma_start3A_404 = tpu.memref_slice %arg8[%dma_start3A_394] : memref<4x!tpu.dma_semaphore, #tpu.memory_space<semaphore_mem>> -> memref<1x!tpu.dma_semaphore, #tpu.memory_space<semaphore_mem>>
    %dma_start3A_405 = tpu.memref_squeeze %dma_start3A_404 : memref<1x!tpu.dma_semaphore, #tpu.memory_space<semaphore_mem>> -> memref<!tpu.dma_semaphore, #tpu.memory_space<semaphore_mem>>
    tpu.enqueue_indirect_dma source(%dma_start3A_403 : memref<100000x128xf32, #tpu.memory_space<hbm>>) target(%dma_start3A_398 : memref<80x128xf32, #tpu.memory_space<vmem>>) offsets(%dma_start3A_400 : memref<80xi32, #tpu.memory_space<vmem>>) semaphore(%dma_start3A_405 : memref<!tpu.dma_semaphore, #tpu.memory_space<semaphore_mem>>)
    %dma_wait3A_406 = arith.constant 1 : i32
    %dma_wait3A_407 = arith.constant 1 : i32
    %dma_wait3A_408 = arith.constant 0 : i32
    %dma_wait3A_409 = arith.constant 0 : i32
    %dma_wait3A_410 = tpu.memref_slice %arg6[%dma_wait3A_406, %dma_wait3A_408, %dma_wait3A_409] : memref<4x80x128xf32, #tpu.memory_space<vmem>> -> memref<1x80x128xf32, #tpu.memory_space<vmem>>
    %dma_wait3A_411 = tpu.memref_squeeze %dma_wait3A_410 : memref<1x80x128xf32, #tpu.memory_space<vmem>> -> memref<80x128xf32, #tpu.memory_space<vmem>>
    %dma_wait3A_412 = arith.constant 400 : i32
    %dma_wait3A_413 = tpu.memref_slice %arg5[%dma_wait3A_412] : memref<6400xi32, #tpu.memory_space<vmem>> -> memref<80xi32, #tpu.memory_space<vmem>>
    %dma_wait3A_414 = arith.constant 0 : i32
    %dma_wait3A_415 = arith.constant 0 : i32
    %dma_wait3A_416 = tpu.memref_slice %arg3[%dma_wait3A_414, %dma_wait3A_415] : memref<100000x128xf32, #tpu.memory_space<hbm>> -> memref<100000x128xf32, #tpu.memory_space<hbm>>
    %dma_wait3A_417 = tpu.memref_slice %arg8[%dma_wait3A_407] : memref<4x!tpu.dma_semaphore, #tpu.memory_space<semaphore_mem>> -> memref<1x!tpu.dma_semaphore, #tpu.memory_space<semaphore_mem>>
    %dma_wait3A_418 = tpu.memref_squeeze %dma_wait3A_417 : memref<1x!tpu.dma_semaphore, #tpu.memory_space<semaphore_mem>> -> memref<!tpu.dma_semaphore, #tpu.memory_space<semaphore_mem>>
    tpu.wait_indirect_dma semaphore(%dma_wait3A_418 : memref<!tpu.dma_semaphore, #tpu.memory_space<semaphore_mem>>) src(%dma_wait3A_416 : memref<100000x128xf32, #tpu.memory_space<hbm>>) dst(%dma_wait3A_411 : memref<80x128xf32, #tpu.memory_space<vmem>>)
    %add3A_419 = arith.constant 80 : i32
    %add3A_420 = arith.addi %mul3A_2, %add3A_419 : i32
    %dma_wait3A_421 = arith.constant 1 : i32
    %dma_wait3A_422 = arith.constant 1 : i32
    %dma_wait3A_423 = tpu.memref_slice %arg10[%dma_wait3A_422] : memref<4x!tpu.dma_semaphore, #tpu.memory_space<semaphore_mem>> -> memref<1x!tpu.dma_semaphore, #tpu.memory_space<semaphore_mem>>
    %dma_wait3A_424 = tpu.memref_squeeze %dma_wait3A_423 : memref<1x!tpu.dma_semaphore, #tpu.memory_space<semaphore_mem>> -> memref<!tpu.dma_semaphore, #tpu.memory_space<semaphore_mem>>
    %dma_wait3A_425 = arith.constant 0 : i32
    %dma_wait3A_426 = tpu.memref_slice %arg4[%add3A_420, %dma_wait3A_425] : memref<204800x128xf32, #tpu.memory_space<hbm>> -> memref<80x128xf32, #tpu.memory_space<hbm>>
    %dma_wait3A_427 = arith.constant 0 : i32
    %dma_wait3A_428 = arith.constant 0 : i32
    %dma_wait3A_429 = tpu.memref_slice %arg7[%arg1, %dma_wait3A_421, %dma_wait3A_427, %dma_wait3A_428] : memref<16x4x80x128xf32, #tpu.memory_space<vmem_shared>> -> memref<1x1x80x128xf32, #tpu.memory_space<vmem_shared>>
    %dma_wait3A_430 = tpu.memref_squeeze %dma_wait3A_429 : memref<1x1x80x128xf32, #tpu.memory_space<vmem_shared>> -> memref<80x128xf32, #tpu.memory_space<vmem_shared>>
    tpu.wait_dma2 semaphore(%dma_wait3A_424 : memref<!tpu.dma_semaphore, #tpu.memory_space<semaphore_mem>>) src(%dma_wait3A_430 : memref<80x128xf32, #tpu.memory_space<vmem_shared>>) dst(%dma_wait3A_426 : memref<80x128xf32, #tpu.memory_space<hbm>>)
    %dma_start3A_431 = arith.constant 1 : i32
    %dma_start3A_432 = arith.constant 1 : i32
    %dma_start3A_433 = arith.constant 1 : i32
    %dma_start3A_434 = arith.constant 0 : i32
    %dma_start3A_435 = arith.constant 0 : i32
    %dma_start3A_436 = tpu.memref_slice %arg6[%dma_start3A_431, %dma_start3A_434, %dma_start3A_435] : memref<4x80x128xf32, #tpu.memory_space<vmem>> -> memref<1x80x128xf32, #tpu.memory_space<vmem>>
    %dma_start3A_437 = tpu.memref_squeeze %dma_start3A_436 : memref<1x80x128xf32, #tpu.memory_space<vmem>> -> memref<80x128xf32, #tpu.memory_space<vmem>>
    %dma_start3A_438 = arith.constant 0 : i32
    %dma_start3A_439 = arith.constant 0 : i32
    %dma_start3A_440 = tpu.memref_slice %arg7[%arg1, %dma_start3A_432, %dma_start3A_438, %dma_start3A_439] : memref<16x4x80x128xf32, #tpu.memory_space<vmem_shared>> -> memref<1x1x80x128xf32, #tpu.memory_space<vmem_shared>>
    %dma_start3A_441 = tpu.memref_squeeze %dma_start3A_440 : memref<1x1x80x128xf32, #tpu.memory_space<vmem_shared>> -> memref<80x128xf32, #tpu.memory_space<vmem_shared>>
    %dma_start3A_442 = tpu.memref_slice %arg9[%dma_start3A_433] : memref<4x!tpu.dma_semaphore, #tpu.memory_space<semaphore_mem>> -> memref<1x!tpu.dma_semaphore, #tpu.memory_space<semaphore_mem>>
    %dma_start3A_443 = tpu.memref_squeeze %dma_start3A_442 : memref<1x!tpu.dma_semaphore, #tpu.memory_space<semaphore_mem>> -> memref<!tpu.dma_semaphore, #tpu.memory_space<semaphore_mem>>
    %dma_start3A_444 = arith.constant 0 : i32
    %dma_start3A_445 = arith.constant 0 : i32
    %dma_start3A_446 = tpu.memref_slice %arg7[%arg1, %dma_start3A_432, %dma_start3A_444, %dma_start3A_445] : memref<16x4x80x128xf32, #tpu.memory_space<vmem_shared>> -> memref<1x1x80x128xf32, #tpu.memory_space<vmem_shared>>
    %dma_start3A_447 = tpu.memref_squeeze %dma_start3A_446 : memref<1x1x80x128xf32, #tpu.memory_space<vmem_shared>> -> memref<80x128xf32, #tpu.memory_space<vmem_shared>>
    %dma_start3A_448 = arith.constant 0 : i32
    %dma_start3A_449 = arith.constant 0 : i32
    %dma_start3A_450 = tpu.memref_slice %arg6[%dma_start3A_431, %dma_start3A_448, %dma_start3A_449] : memref<4x80x128xf32, #tpu.memory_space<vmem>> -> memref<1x80x128xf32, #tpu.memory_space<vmem>>
    %dma_start3A_451 = tpu.memref_squeeze %dma_start3A_450 : memref<1x80x128xf32, #tpu.memory_space<vmem>> -> memref<80x128xf32, #tpu.memory_space<vmem>>
    tpu.enqueue_dma source(%dma_start3A_451 : memref<80x128xf32, #tpu.memory_space<vmem>>) target(%dma_start3A_447 : memref<80x128xf32, #tpu.memory_space<vmem_shared>>) target_semaphore(%dma_start3A_443 : memref<!tpu.dma_semaphore, #tpu.memory_space<semaphore_mem>>)
    %dma_wait3A_452 = arith.constant 0 : i32
    %dma_wait3A_453 = arith.constant 0 : i32
    %dma_wait3A_454 = arith.constant 0 : i32
    %dma_wait3A_455 = arith.constant 0 : i32
    %dma_wait3A_456 = arith.constant 0 : i32
    %dma_wait3A_457 = tpu.memref_slice %arg6[%dma_wait3A_452, %dma_wait3A_455, %dma_wait3A_456] : memref<4x80x128xf32, #tpu.memory_space<vmem>> -> memref<1x80x128xf32, #tpu.memory_space<vmem>>
    %dma_wait3A_458 = tpu.memref_squeeze %dma_wait3A_457 : memref<1x80x128xf32, #tpu.memory_space<vmem>> -> memref<80x128xf32, #tpu.memory_space<vmem>>
    %dma_wait3A_459 = arith.constant 0 : i32
    %dma_wait3A_460 = arith.constant 0 : i32
    %dma_wait3A_461 = tpu.memref_slice %arg7[%arg1, %dma_wait3A_453, %dma_wait3A_459, %dma_wait3A_460] : memref<16x4x80x128xf32, #tpu.memory_space<vmem_shared>> -> memref<1x1x80x128xf32, #tpu.memory_space<vmem_shared>>
    %dma_wait3A_462 = tpu.memref_squeeze %dma_wait3A_461 : memref<1x1x80x128xf32, #tpu.memory_space<vmem_shared>> -> memref<80x128xf32, #tpu.memory_space<vmem_shared>>
    %dma_wait3A_463 = tpu.memref_slice %arg9[%dma_wait3A_454] : memref<4x!tpu.dma_semaphore, #tpu.memory_space<semaphore_mem>> -> memref<1x!tpu.dma_semaphore, #tpu.memory_space<semaphore_mem>>
    %dma_wait3A_464 = tpu.memref_squeeze %dma_wait3A_463 : memref<1x!tpu.dma_semaphore, #tpu.memory_space<semaphore_mem>> -> memref<!tpu.dma_semaphore, #tpu.memory_space<semaphore_mem>>
    %dma_wait3A_465 = arith.constant 0 : i32
    %dma_wait3A_466 = arith.constant 0 : i32
    %dma_wait3A_467 = tpu.memref_slice %arg7[%arg1, %dma_wait3A_453, %dma_wait3A_465, %dma_wait3A_466] : memref<16x4x80x128xf32, #tpu.memory_space<vmem_shared>> -> memref<1x1x80x128xf32, #tpu.memory_space<vmem_shared>>
    %dma_wait3A_468 = tpu.memref_squeeze %dma_wait3A_467 : memref<1x1x80x128xf32, #tpu.memory_space<vmem_shared>> -> memref<80x128xf32, #tpu.memory_space<vmem_shared>>
    %dma_wait3A_469 = arith.constant 0 : i32
    %dma_wait3A_470 = arith.constant 0 : i32
    %dma_wait3A_471 = tpu.memref_slice %arg6[%dma_wait3A_452, %dma_wait3A_469, %dma_wait3A_470] : memref<4x80x128xf32, #tpu.memory_space<vmem>> -> memref<1x80x128xf32, #tpu.memory_space<vmem>>
    %dma_wait3A_472 = tpu.memref_squeeze %dma_wait3A_471 : memref<1x80x128xf32, #tpu.memory_space<vmem>> -> memref<80x128xf32, #tpu.memory_space<vmem>>
    tpu.wait_dma2 semaphore(%dma_wait3A_464 : memref<!tpu.dma_semaphore, #tpu.memory_space<semaphore_mem>>) src(%dma_wait3A_472 : memref<80x128xf32, #tpu.memory_space<vmem>>) dst(%dma_wait3A_468 : memref<80x128xf32, #tpu.memory_space<vmem_shared>>)
    %add3A_473 = arith.constant 320 : i32
    %add3A_474 = arith.addi %mul3A_2, %add3A_473 : i32
    %dma_start3A_475 = arith.constant 0 : i32
    %dma_start3A_476 = arith.constant 0 : i32
    %dma_start3A_477 = tpu.memref_slice %arg10[%dma_start3A_476] : memref<4x!tpu.dma_semaphore, #tpu.memory_space<semaphore_mem>> -> memref<1x!tpu.dma_semaphore, #tpu.memory_space<semaphore_mem>>
    %dma_start3A_478 = tpu.memref_squeeze %dma_start3A_477 : memref<1x!tpu.dma_semaphore, #tpu.memory_space<semaphore_mem>> -> memref<!tpu.dma_semaphore, #tpu.memory_space<semaphore_mem>>
    %dma_start3A_479 = arith.constant 0 : i32
    %dma_start3A_480 = tpu.memref_slice %arg4[%add3A_474, %dma_start3A_479] : memref<204800x128xf32, #tpu.memory_space<hbm>> -> memref<80x128xf32, #tpu.memory_space<hbm>>
    %dma_start3A_481 = arith.constant 0 : i32
    %dma_start3A_482 = arith.constant 0 : i32
    %dma_start3A_483 = tpu.memref_slice %arg7[%arg1, %dma_start3A_475, %dma_start3A_481, %dma_start3A_482] : memref<16x4x80x128xf32, #tpu.memory_space<vmem_shared>> -> memref<1x1x80x128xf32, #tpu.memory_space<vmem_shared>>
    %dma_start3A_484 = tpu.memref_squeeze %dma_start3A_483 : memref<1x1x80x128xf32, #tpu.memory_space<vmem_shared>> -> memref<80x128xf32, #tpu.memory_space<vmem_shared>>
    tpu.enqueue_dma source(%dma_start3A_484 : memref<80x128xf32, #tpu.memory_space<vmem_shared>>) target(%dma_start3A_480 : memref<80x128xf32, #tpu.memory_space<hbm>>) target_semaphore(%dma_start3A_478 : memref<!tpu.dma_semaphore, #tpu.memory_space<semaphore_mem>>)
    %dma_start3A_485 = arith.constant 3 : i32
    %dma_start3A_486 = arith.constant 3 : i32
    %dma_start3A_487 = arith.constant 0 : i32
    %dma_start3A_488 = arith.constant 0 : i32
    %dma_start3A_489 = tpu.memref_slice %arg6[%dma_start3A_485, %dma_start3A_487, %dma_start3A_488] : memref<4x80x128xf32, #tpu.memory_space<vmem>> -> memref<1x80x128xf32, #tpu.memory_space<vmem>>
    %dma_start3A_490 = tpu.memref_squeeze %dma_start3A_489 : memref<1x80x128xf32, #tpu.memory_space<vmem>> -> memref<80x128xf32, #tpu.memory_space<vmem>>
    %dma_start3A_491 = arith.constant 560 : i32
    %dma_start3A_492 = tpu.memref_slice %arg5[%dma_start3A_491] : memref<6400xi32, #tpu.memory_space<vmem>> -> memref<80xi32, #tpu.memory_space<vmem>>
    %dma_start3A_493 = arith.constant 0 : i32
    %dma_start3A_494 = arith.constant 0 : i32
    %dma_start3A_495 = tpu.memref_slice %arg3[%dma_start3A_493, %dma_start3A_494] : memref<100000x128xf32, #tpu.memory_space<hbm>> -> memref<100000x128xf32, #tpu.memory_space<hbm>>
    %dma_start3A_496 = tpu.memref_slice %arg8[%dma_start3A_486] : memref<4x!tpu.dma_semaphore, #tpu.memory_space<semaphore_mem>> -> memref<1x!tpu.dma_semaphore, #tpu.memory_space<semaphore_mem>>
    %dma_start3A_497 = tpu.memref_squeeze %dma_start3A_496 : memref<1x!tpu.dma_semaphore, #tpu.memory_space<semaphore_mem>> -> memref<!tpu.dma_semaphore, #tpu.memory_space<semaphore_mem>>
    tpu.enqueue_indirect_dma source(%dma_start3A_495 : memref<100000x128xf32, #tpu.memory_space<hbm>>) target(%dma_start3A_490 : memref<80x128xf32, #tpu.memory_space<vmem>>) offsets(%dma_start3A_492 : memref<80xi32, #tpu.memory_space<vmem>>) semaphore(%dma_start3A_497 : memref<!tpu.dma_semaphore, #tpu.memory_space<semaphore_mem>>)
    %dma_wait3A_498 = arith.constant 2 : i32
    %dma_wait3A_499 = arith.constant 2 : i32
    %dma_wait3A_500 = arith.constant 0 : i32
    %dma_wait3A_501 = arith.constant 0 : i32
    %dma_wait3A_502 = tpu.memref_slice %arg6[%dma_wait3A_498, %dma_wait3A_500, %dma_wait3A_501] : memref<4x80x128xf32, #tpu.memory_space<vmem>> -> memref<1x80x128xf32, #tpu.memory_space<vmem>>
    %dma_wait3A_503 = tpu.memref_squeeze %dma_wait3A_502 : memref<1x80x128xf32, #tpu.memory_space<vmem>> -> memref<80x128xf32, #tpu.memory_space<vmem>>
    %dma_wait3A_504 = arith.constant 480 : i32
    %dma_wait3A_505 = tpu.memref_slice %arg5[%dma_wait3A_504] : memref<6400xi32, #tpu.memory_space<vmem>> -> memref<80xi32, #tpu.memory_space<vmem>>
    %dma_wait3A_506 = arith.constant 0 : i32
    %dma_wait3A_507 = arith.constant 0 : i32
    %dma_wait3A_508 = tpu.memref_slice %arg3[%dma_wait3A_506, %dma_wait3A_507] : memref<100000x128xf32, #tpu.memory_space<hbm>> -> memref<100000x128xf32, #tpu.memory_space<hbm>>
    %dma_wait3A_509 = tpu.memref_slice %arg8[%dma_wait3A_499] : memref<4x!tpu.dma_semaphore, #tpu.memory_space<semaphore_mem>> -> memref<1x!tpu.dma_semaphore, #tpu.memory_space<semaphore_mem>>
    %dma_wait3A_510 = tpu.memref_squeeze %dma_wait3A_509 : memref<1x!tpu.dma_semaphore, #tpu.memory_space<semaphore_mem>> -> memref<!tpu.dma_semaphore, #tpu.memory_space<semaphore_mem>>
    tpu.wait_indirect_dma semaphore(%dma_wait3A_510 : memref<!tpu.dma_semaphore, #tpu.memory_space<semaphore_mem>>) src(%dma_wait3A_508 : memref<100000x128xf32, #tpu.memory_space<hbm>>) dst(%dma_wait3A_503 : memref<80x128xf32, #tpu.memory_space<vmem>>)
    %add3A_511 = arith.constant 160 : i32
    %add3A_512 = arith.addi %mul3A_2, %add3A_511 : i32
    %dma_wait3A_513 = arith.constant 2 : i32
    %dma_wait3A_514 = arith.constant 2 : i32
    %dma_wait3A_515 = tpu.memref_slice %arg10[%dma_wait3A_514] : memref<4x!tpu.dma_semaphore, #tpu.memory_space<semaphore_mem>> -> memref<1x!tpu.dma_semaphore, #tpu.memory_space<semaphore_mem>>
    %dma_wait3A_516 = tpu.memref_squeeze %dma_wait3A_515 : memref<1x!tpu.dma_semaphore, #tpu.memory_space<semaphore_mem>> -> memref<!tpu.dma_semaphore, #tpu.memory_space<semaphore_mem>>
    %dma_wait3A_517 = arith.constant 0 : i32
    %dma_wait3A_518 = tpu.memref_slice %arg4[%add3A_512, %dma_wait3A_517] : memref<204800x128xf32, #tpu.memory_space<hbm>> -> memref<80x128xf32, #tpu.memory_space<hbm>>
    %dma_wait3A_519 = arith.constant 0 : i32
    %dma_wait3A_520 = arith.constant 0 : i32
    %dma_wait3A_521 = tpu.memref_slice %arg7[%arg1, %dma_wait3A_513, %dma_wait3A_519, %dma_wait3A_520] : memref<16x4x80x128xf32, #tpu.memory_space<vmem_shared>> -> memref<1x1x80x128xf32, #tpu.memory_space<vmem_shared>>
    %dma_wait3A_522 = tpu.memref_squeeze %dma_wait3A_521 : memref<1x1x80x128xf32, #tpu.memory_space<vmem_shared>> -> memref<80x128xf32, #tpu.memory_space<vmem_shared>>
    tpu.wait_dma2 semaphore(%dma_wait3A_516 : memref<!tpu.dma_semaphore, #tpu.memory_space<semaphore_mem>>) src(%dma_wait3A_522 : memref<80x128xf32, #tpu.memory_space<vmem_shared>>) dst(%dma_wait3A_518 : memref<80x128xf32, #tpu.memory_space<hbm>>)
    %dma_start3A_523 = arith.constant 2 : i32
    %dma_start3A_524 = arith.constant 2 : i32
    %dma_start3A_525 = arith.constant 2 : i32
    %dma_start3A_526 = arith.constant 0 : i32
    %dma_start3A_527 = arith.constant 0 : i32
    %dma_start3A_528 = tpu.memref_slice %arg6[%dma_start3A_523, %dma_start3A_526, %dma_start3A_527] : memref<4x80x128xf32, #tpu.memory_space<vmem>> -> memref<1x80x128xf32, #tpu.memory_space<vmem>>
    %dma_start3A_529 = tpu.memref_squeeze %dma_start3A_528 : memref<1x80x128xf32, #tpu.memory_space<vmem>> -> memref<80x128xf32, #tpu.memory_space<vmem>>
    %dma_start3A_530 = arith.constant 0 : i32
    %dma_start3A_531 = arith.constant 0 : i32
    %dma_start3A_532 = tpu.memref_slice %arg7[%arg1, %dma_start3A_524, %dma_start3A_530, %dma_start3A_531] : memref<16x4x80x128xf32, #tpu.memory_space<vmem_shared>> -> memref<1x1x80x128xf32, #tpu.memory_space<vmem_shared>>
    %dma_start3A_533 = tpu.memref_squeeze %dma_start3A_532 : memref<1x1x80x128xf32, #tpu.memory_space<vmem_shared>> -> memref<80x128xf32, #tpu.memory_space<vmem_shared>>
    %dma_start3A_534 = tpu.memref_slice %arg9[%dma_start3A_525] : memref<4x!tpu.dma_semaphore, #tpu.memory_space<semaphore_mem>> -> memref<1x!tpu.dma_semaphore, #tpu.memory_space<semaphore_mem>>
    %dma_start3A_535 = tpu.memref_squeeze %dma_start3A_534 : memref<1x!tpu.dma_semaphore, #tpu.memory_space<semaphore_mem>> -> memref<!tpu.dma_semaphore, #tpu.memory_space<semaphore_mem>>
    %dma_start3A_536 = arith.constant 0 : i32
    %dma_start3A_537 = arith.constant 0 : i32
    %dma_start3A_538 = tpu.memref_slice %arg7[%arg1, %dma_start3A_524, %dma_start3A_536, %dma_start3A_537] : memref<16x4x80x128xf32, #tpu.memory_space<vmem_shared>> -> memref<1x1x80x128xf32, #tpu.memory_space<vmem_shared>>
    %dma_start3A_539 = tpu.memref_squeeze %dma_start3A_538 : memref<1x1x80x128xf32, #tpu.memory_space<vmem_shared>> -> memref<80x128xf32, #tpu.memory_space<vmem_shared>>
    %dma_start3A_540 = arith.constant 0 : i32
    %dma_start3A_541 = arith.constant 0 : i32
    %dma_start3A_542 = tpu.memref_slice %arg6[%dma_start3A_523, %dma_start3A_540, %dma_start3A_541] : memref<4x80x128xf32, #tpu.memory_space<vmem>> -> memref<1x80x128xf32, #tpu.memory_space<vmem>>
    %dma_start3A_543 = tpu.memref_squeeze %dma_start3A_542 : memref<1x80x128xf32, #tpu.memory_space<vmem>> -> memref<80x128xf32, #tpu.memory_space<vmem>>
    tpu.enqueue_dma source(%dma_start3A_543 : memref<80x128xf32, #tpu.memory_space<vmem>>) target(%dma_start3A_539 : memref<80x128xf32, #tpu.memory_space<vmem_shared>>) target_semaphore(%dma_start3A_535 : memref<!tpu.dma_semaphore, #tpu.memory_space<semaphore_mem>>)
    %dma_wait3A_544 = arith.constant 1 : i32
    %dma_wait3A_545 = arith.constant 1 : i32
    %dma_wait3A_546 = arith.constant 1 : i32
    %dma_wait3A_547 = arith.constant 0 : i32
    %dma_wait3A_548 = arith.constant 0 : i32
    %dma_wait3A_549 = tpu.memref_slice %arg6[%dma_wait3A_544, %dma_wait3A_547, %dma_wait3A_548] : memref<4x80x128xf32, #tpu.memory_space<vmem>> -> memref<1x80x128xf32, #tpu.memory_space<vmem>>
    %dma_wait3A_550 = tpu.memref_squeeze %dma_wait3A_549 : memref<1x80x128xf32, #tpu.memory_space<vmem>> -> memref<80x128xf32, #tpu.memory_space<vmem>>
    %dma_wait3A_551 = arith.constant 0 : i32
    %dma_wait3A_552 = arith.constant 0 : i32
    %dma_wait3A_553 = tpu.memref_slice %arg7[%arg1, %dma_wait3A_545, %dma_wait3A_551, %dma_wait3A_552] : memref<16x4x80x128xf32, #tpu.memory_space<vmem_shared>> -> memref<1x1x80x128xf32, #tpu.memory_space<vmem_shared>>
    %dma_wait3A_554 = tpu.memref_squeeze %dma_wait3A_553 : memref<1x1x80x128xf32, #tpu.memory_space<vmem_shared>> -> memref<80x128xf32, #tpu.memory_space<vmem_shared>>
    %dma_wait3A_555 = tpu.memref_slice %arg9[%dma_wait3A_546] : memref<4x!tpu.dma_semaphore, #tpu.memory_space<semaphore_mem>> -> memref<1x!tpu.dma_semaphore, #tpu.memory_space<semaphore_mem>>
    %dma_wait3A_556 = tpu.memref_squeeze %dma_wait3A_555 : memref<1x!tpu.dma_semaphore, #tpu.memory_space<semaphore_mem>> -> memref<!tpu.dma_semaphore, #tpu.memory_space<semaphore_mem>>
    %dma_wait3A_557 = arith.constant 0 : i32
    %dma_wait3A_558 = arith.constant 0 : i32
    %dma_wait3A_559 = tpu.memref_slice %arg7[%arg1, %dma_wait3A_545, %dma_wait3A_557, %dma_wait3A_558] : memref<16x4x80x128xf32, #tpu.memory_space<vmem_shared>> -> memref<1x1x80x128xf32, #tpu.memory_space<vmem_shared>>
    %dma_wait3A_560 = tpu.memref_squeeze %dma_wait3A_559 : memref<1x1x80x128xf32, #tpu.memory_space<vmem_shared>> -> memref<80x128xf32, #tpu.memory_space<vmem_shared>>
    %dma_wait3A_561 = arith.constant 0 : i32
    %dma_wait3A_562 = arith.constant 0 : i32
    %dma_wait3A_563 = tpu.memref_slice %arg6[%dma_wait3A_544, %dma_wait3A_561, %dma_wait3A_562] : memref<4x80x128xf32, #tpu.memory_space<vmem>> -> memref<1x80x128xf32, #tpu.memory_space<vmem>>
    %dma_wait3A_564 = tpu.memref_squeeze %dma_wait3A_563 : memref<1x80x128xf32, #tpu.memory_space<vmem>> -> memref<80x128xf32, #tpu.memory_space<vmem>>
    tpu.wait_dma2 semaphore(%dma_wait3A_556 : memref<!tpu.dma_semaphore, #tpu.memory_space<semaphore_mem>>) src(%dma_wait3A_564 : memref<80x128xf32, #tpu.memory_space<vmem>>) dst(%dma_wait3A_560 : memref<80x128xf32, #tpu.memory_space<vmem_shared>>)
    %add3A_565 = arith.constant 400 : i32
    %add3A_566 = arith.addi %mul3A_2, %add3A_565 : i32
    %dma_start3A_567 = arith.constant 1 : i32
    %dma_start3A_568 = arith.constant 1 : i32
    %dma_start3A_569 = tpu.memref_slice %arg10[%dma_start3A_568] : memref<4x!tpu.dma_semaphore, #tpu.memory_space<semaphore_mem>> -> memref<1x!tpu.dma_semaphore, #tpu.memory_space<semaphore_mem>>
    %dma_start3A_570 = tpu.memref_squeeze %dma_start3A_569 : memref<1x!tpu.dma_semaphore, #tpu.memory_space<semaphore_mem>> -> memref<!tpu.dma_semaphore, #tpu.memory_space<semaphore_mem>>
    %dma_start3A_571 = arith.constant 0 : i32
    %dma_start3A_572 = tpu.memref_slice %arg4[%add3A_566, %dma_start3A_571] : memref<204800x128xf32, #tpu.memory_space<hbm>> -> memref<80x128xf32, #tpu.memory_space<hbm>>
    %dma_start3A_573 = arith.constant 0 : i32
    %dma_start3A_574 = arith.constant 0 : i32
    %dma_start3A_575 = tpu.memref_slice %arg7[%arg1, %dma_start3A_567, %dma_start3A_573, %dma_start3A_574] : memref<16x4x80x128xf32, #tpu.memory_space<vmem_shared>> -> memref<1x1x80x128xf32, #tpu.memory_space<vmem_shared>>
    %dma_start3A_576 = tpu.memref_squeeze %dma_start3A_575 : memref<1x1x80x128xf32, #tpu.memory_space<vmem_shared>> -> memref<80x128xf32, #tpu.memory_space<vmem_shared>>
    tpu.enqueue_dma source(%dma_start3A_576 : memref<80x128xf32, #tpu.memory_space<vmem_shared>>) target(%dma_start3A_572 : memref<80x128xf32, #tpu.memory_space<hbm>>) target_semaphore(%dma_start3A_570 : memref<!tpu.dma_semaphore, #tpu.memory_space<semaphore_mem>>)
    %scan3A = arith.constant 0 : i32
    %scan3A_577 = arith.constant 2 : i32
    %scan3A_578 = arith.constant 18 : i32
    %scan3A_579 = arith.addi %scan3A_577, %scan3A_578 : i32
    %scan3A_580 = arith.constant 1 : i32
    scf.for %scan3A_742 = %scan3A_577 to %scan3A_579 step %scan3A_580  : i32 {
      %mul3A_743 = arith.constant 4 : i32
      %mul3A_744 = arith.muli %scan3A_742, %mul3A_743 : i32
      %add3A_745 = arith.constant 0 : i32
      %add3A_746 = arith.addi %mul3A_744, %add3A_745 : i32
      %mul3A_747 = arith.constant 80 : i32
      %mul3A_748 = arith.muli %add3A_746, %mul3A_747 : i32
      %dma_start3A_749 = arith.constant 0 : i32
      %dma_start3A_750 = arith.constant 0 : i32
      %dma_start3A_751 = arith.constant 0 : i32
      %dma_start3A_752 = arith.constant 0 : i32
      %dma_start3A_753 = tpu.memref_slice %arg6[%dma_start3A_749, %dma_start3A_751, %dma_start3A_752] : memref<4x80x128xf32, #tpu.memory_space<vmem>> -> memref<1x80x128xf32, #tpu.memory_space<vmem>>
      %dma_start3A_754 = tpu.memref_squeeze %dma_start3A_753 : memref<1x80x128xf32, #tpu.memory_space<vmem>> -> memref<80x128xf32, #tpu.memory_space<vmem>>
      %dma_start3A_755 = tpu.memref_slice %arg5[%mul3A_748] : memref<6400xi32, #tpu.memory_space<vmem>> -> memref<80xi32, #tpu.memory_space<vmem>>
      %dma_start3A_756 = arith.constant 0 : i32
      %dma_start3A_757 = arith.constant 0 : i32
      %dma_start3A_758 = tpu.memref_slice %arg3[%dma_start3A_756, %dma_start3A_757] : memref<100000x128xf32, #tpu.memory_space<hbm>> -> memref<100000x128xf32, #tpu.memory_space<hbm>>
      %dma_start3A_759 = tpu.memref_slice %arg8[%dma_start3A_750] : memref<4x!tpu.dma_semaphore, #tpu.memory_space<semaphore_mem>> -> memref<1x!tpu.dma_semaphore, #tpu.memory_space<semaphore_mem>>
      %dma_start3A_760 = tpu.memref_squeeze %dma_start3A_759 : memref<1x!tpu.dma_semaphore, #tpu.memory_space<semaphore_mem>> -> memref<!tpu.dma_semaphore, #tpu.memory_space<semaphore_mem>>
      tpu.enqueue_indirect_dma source(%dma_start3A_758 : memref<100000x128xf32, #tpu.memory_space<hbm>>) target(%dma_start3A_754 : memref<80x128xf32, #tpu.memory_space<vmem>>) offsets(%dma_start3A_755 : memref<80xi32, #tpu.memory_space<vmem>>) semaphore(%dma_start3A_760 : memref<!tpu.dma_semaphore, #tpu.memory_space<semaphore_mem>>)
      %sub3A = arith.constant 1 : i32
      %sub3A_761 = arith.subi %add3A_746, %sub3A : i32
      %mul3A_762 = arith.constant 80 : i32
      %mul3A_763 = arith.muli %sub3A_761, %mul3A_762 : i32
      %dma_wait3A_764 = arith.constant 3 : i32
      %dma_wait3A_765 = arith.constant 3 : i32
      %dma_wait3A_766 = arith.constant 0 : i32
      %dma_wait3A_767 = arith.constant 0 : i32
      %dma_wait3A_768 = tpu.memref_slice %arg6[%dma_wait3A_764, %dma_wait3A_766, %dma_wait3A_767] : memref<4x80x128xf32, #tpu.memory_space<vmem>> -> memref<1x80x128xf32, #tpu.memory_space<vmem>>
      %dma_wait3A_769 = tpu.memref_squeeze %dma_wait3A_768 : memref<1x80x128xf32, #tpu.memory_space<vmem>> -> memref<80x128xf32, #tpu.memory_space<vmem>>
      %dma_wait3A_770 = tpu.memref_slice %arg5[%mul3A_763] : memref<6400xi32, #tpu.memory_space<vmem>> -> memref<80xi32, #tpu.memory_space<vmem>>
      %dma_wait3A_771 = arith.constant 0 : i32
      %dma_wait3A_772 = arith.constant 0 : i32
      %dma_wait3A_773 = tpu.memref_slice %arg3[%dma_wait3A_771, %dma_wait3A_772] : memref<100000x128xf32, #tpu.memory_space<hbm>> -> memref<100000x128xf32, #tpu.memory_space<hbm>>
      %dma_wait3A_774 = tpu.memref_slice %arg8[%dma_wait3A_765] : memref<4x!tpu.dma_semaphore, #tpu.memory_space<semaphore_mem>> -> memref<1x!tpu.dma_semaphore, #tpu.memory_space<semaphore_mem>>
      %dma_wait3A_775 = tpu.memref_squeeze %dma_wait3A_774 : memref<1x!tpu.dma_semaphore, #tpu.memory_space<semaphore_mem>> -> memref<!tpu.dma_semaphore, #tpu.memory_space<semaphore_mem>>
      tpu.wait_indirect_dma semaphore(%dma_wait3A_775 : memref<!tpu.dma_semaphore, #tpu.memory_space<semaphore_mem>>) src(%dma_wait3A_773 : memref<100000x128xf32, #tpu.memory_space<hbm>>) dst(%dma_wait3A_769 : memref<80x128xf32, #tpu.memory_space<vmem>>)
      %sub3A_776 = arith.constant 1 : i32
      %sub3A_777 = arith.subi %add3A_746, %sub3A_776 : i32
      %sub3A_778 = arith.constant 4 : i32
      %sub3A_779 = arith.subi %sub3A_777, %sub3A_778 : i32
      %jit3A = arith.constant 4 : i32
      %eq3A = arith.constant 0 : i32
      %eq3A_780 = arith.cmpi eq, %jit3A, %eq3A : i32
      %jit3A_781 = arith.constant 1 : i32
      %select_n3A = arith.select %eq3A_780, %jit3A_781, %jit3A : i32
      %rem3A = arith.remsi %sub3A_779, %select_n3A : i32
      %ne3A = arith.constant 0 : i32
      %ne3A_782 = arith.cmpi ne, %rem3A, %ne3A : i32
      %lt3A = arith.constant 0 : i32
      %lt3A_783 = arith.cmpi slt, %rem3A, %lt3A : i32
      %lt3A_784 = arith.constant 0 : i32
      %lt3A_785 = arith.cmpi slt, %select_n3A, %lt3A_784 : i32
      %ne3A_786 = arith.xori %lt3A_783, %lt3A_785 : i1
      %and3A = arith.andi %ne3A_786, %ne3A_782 : i1
      %add3A_787 = arith.addi %rem3A, %select_n3A : i32
      %select_n3A_788 = arith.select %and3A, %add3A_787, %rem3A : i32
      %mul3A_789 = arith.constant 80 : i32
      %mul3A_790 = arith.muli %sub3A_779, %mul3A_789 : i32
      %add3A_791 = arith.addi %mul3A_2, %mul3A_790 : i32
      %dma_wait3A_792 = tpu.memref_slice %arg10[%select_n3A_788] : memref<4x!tpu.dma_semaphore, #tpu.memory_space<semaphore_mem>> -> memref<1x!tpu.dma_semaphore, #tpu.memory_space<semaphore_mem>>
      %dma_wait3A_793 = tpu.memref_squeeze %dma_wait3A_792 : memref<1x!tpu.dma_semaphore, #tpu.memory_space<semaphore_mem>> -> memref<!tpu.dma_semaphore, #tpu.memory_space<semaphore_mem>>
      %dma_wait3A_794 = arith.constant 0 : i32
      %dma_wait3A_795 = tpu.memref_slice %arg4[%add3A_791, %dma_wait3A_794] : memref<204800x128xf32, #tpu.memory_space<hbm>> -> memref<80x128xf32, #tpu.memory_space<hbm>>
      %dma_wait3A_796 = arith.constant 0 : i32
      %dma_wait3A_797 = arith.constant 0 : i32
      %dma_wait3A_798 = tpu.memref_slice %arg7[%arg1, %select_n3A_788, %dma_wait3A_796, %dma_wait3A_797] : memref<16x4x80x128xf32, #tpu.memory_space<vmem_shared>> -> memref<1x1x80x128xf32, #tpu.memory_space<vmem_shared>>
      %dma_wait3A_799 = tpu.memref_squeeze %dma_wait3A_798 : memref<1x1x80x128xf32, #tpu.memory_space<vmem_shared>> -> memref<80x128xf32, #tpu.memory_space<vmem_shared>>
      tpu.wait_dma2 semaphore(%dma_wait3A_793 : memref<!tpu.dma_semaphore, #tpu.memory_space<semaphore_mem>>) src(%dma_wait3A_799 : memref<80x128xf32, #tpu.memory_space<vmem_shared>>) dst(%dma_wait3A_795 : memref<80x128xf32, #tpu.memory_space<hbm>>)
      %sub3A_800 = arith.constant 1 : i32
      %sub3A_801 = arith.subi %add3A_746, %sub3A_800 : i32
      %jit3A_802 = arith.constant 4 : i32
      %eq3A_803 = arith.constant 0 : i32
      %eq3A_804 = arith.cmpi eq, %jit3A_802, %eq3A_803 : i32
      %jit3A_805 = arith.constant 1 : i32
      %select_n3A_806 = arith.select %eq3A_804, %jit3A_805, %jit3A_802 : i32
      %rem3A_807 = arith.remsi %sub3A_801, %select_n3A_806 : i32
      %ne3A_808 = arith.constant 0 : i32
      %ne3A_809 = arith.cmpi ne, %rem3A_807, %ne3A_808 : i32
      %lt3A_810 = arith.constant 0 : i32
      %lt3A_811 = arith.cmpi slt, %rem3A_807, %lt3A_810 : i32
      %lt3A_812 = arith.constant 0 : i32
      %lt3A_813 = arith.cmpi slt, %select_n3A_806, %lt3A_812 : i32
      %ne3A_814 = arith.xori %lt3A_811, %lt3A_813 : i1
      %and3A_815 = arith.andi %ne3A_814, %ne3A_809 : i1
      %add3A_816 = arith.addi %rem3A_807, %select_n3A_806 : i32
      %select_n3A_817 = arith.select %and3A_815, %add3A_816, %rem3A_807 : i32
      %jit3A_818 = arith.constant 4 : i32
      %eq3A_819 = arith.constant 0 : i32
      %eq3A_820 = arith.cmpi eq, %jit3A_818, %eq3A_819 : i32
      %jit3A_821 = arith.constant 1 : i32
      %select_n3A_822 = arith.select %eq3A_820, %jit3A_821, %jit3A_818 : i32
      %rem3A_823 = arith.remsi %sub3A_801, %select_n3A_822 : i32
      %ne3A_824 = arith.constant 0 : i32
      %ne3A_825 = arith.cmpi ne, %rem3A_823, %ne3A_824 : i32
      %lt3A_826 = arith.constant 0 : i32
      %lt3A_827 = arith.cmpi slt, %rem3A_823, %lt3A_826 : i32
      %lt3A_828 = arith.constant 0 : i32
      %lt3A_829 = arith.cmpi slt, %select_n3A_822, %lt3A_828 : i32
      %ne3A_830 = arith.xori %lt3A_827, %lt3A_829 : i1
      %and3A_831 = arith.andi %ne3A_830, %ne3A_825 : i1
      %add3A_832 = arith.addi %rem3A_823, %select_n3A_822 : i32
      %select_n3A_833 = arith.select %and3A_831, %add3A_832, %rem3A_823 : i32
      %jit3A_834 = arith.constant 4 : i32
      %eq3A_835 = arith.constant 0 : i32
      %eq3A_836 = arith.cmpi eq, %jit3A_834, %eq3A_835 : i32
      %jit3A_837 = arith.constant 1 : i32
      %select_n3A_838 = arith.select %eq3A_836, %jit3A_837, %jit3A_834 : i32
      %rem3A_839 = arith.remsi %sub3A_801, %select_n3A_838 : i32
      %ne3A_840 = arith.constant 0 : i32
      %ne3A_841 = arith.cmpi ne, %rem3A_839, %ne3A_840 : i32
      %lt3A_842 = arith.constant 0 : i32
      %lt3A_843 = arith.cmpi slt, %rem3A_839, %lt3A_842 : i32
      %lt3A_844 = arith.constant 0 : i32
      %lt3A_845 = arith.cmpi slt, %select_n3A_838, %lt3A_844 : i32
      %ne3A_846 = arith.xori %lt3A_843, %lt3A_845 : i1
      %and3A_847 = arith.andi %ne3A_846, %ne3A_841 : i1
      %add3A_848 = arith.addi %rem3A_839, %select_n3A_838 : i32
      %select_n3A_849 = arith.select %and3A_847, %add3A_848, %rem3A_839 : i32
      %dma_start3A_850 = arith.constant 0 : i32
      %dma_start3A_851 = arith.constant 0 : i32
      %dma_start3A_852 = tpu.memref_slice %arg6[%select_n3A_817, %dma_start3A_850, %dma_start3A_851] : memref<4x80x128xf32, #tpu.memory_space<vmem>> -> memref<1x80x128xf32, #tpu.memory_space<vmem>>
      %dma_start3A_853 = tpu.memref_squeeze %dma_start3A_852 : memref<1x80x128xf32, #tpu.memory_space<vmem>> -> memref<80x128xf32, #tpu.memory_space<vmem>>
      %dma_start3A_854 = arith.constant 0 : i32
      %dma_start3A_855 = arith.constant 0 : i32
      %dma_start3A_856 = tpu.memref_slice %arg7[%arg1, %select_n3A_833, %dma_start3A_854, %dma_start3A_855] : memref<16x4x80x128xf32, #tpu.memory_space<vmem_shared>> -> memref<1x1x80x128xf32, #tpu.memory_space<vmem_shared>>
      %dma_start3A_857 = tpu.memref_squeeze %dma_start3A_856 : memref<1x1x80x128xf32, #tpu.memory_space<vmem_shared>> -> memref<80x128xf32, #tpu.memory_space<vmem_shared>>
      %dma_start3A_858 = tpu.memref_slice %arg9[%select_n3A_849] : memref<4x!tpu.dma_semaphore, #tpu.memory_space<semaphore_mem>> -> memref<1x!tpu.dma_semaphore, #tpu.memory_space<semaphore_mem>>
      %dma_start3A_859 = tpu.memref_squeeze %dma_start3A_858 : memref<1x!tpu.dma_semaphore, #tpu.memory_space<semaphore_mem>> -> memref<!tpu.dma_semaphore, #tpu.memory_space<semaphore_mem>>
      %dma_start3A_860 = arith.constant 0 : i32
      %dma_start3A_861 = arith.constant 0 : i32
      %dma_start3A_862 = tpu.memref_slice %arg7[%arg1, %select_n3A_833, %dma_start3A_860, %dma_start3A_861] : memref<16x4x80x128xf32, #tpu.memory_space<vmem_shared>> -> memref<1x1x80x128xf32, #tpu.memory_space<vmem_shared>>
      %dma_start3A_863 = tpu.memref_squeeze %dma_start3A_862 : memref<1x1x80x128xf32, #tpu.memory_space<vmem_shared>> -> memref<80x128xf32, #tpu.memory_space<vmem_shared>>
      %dma_start3A_864 = arith.constant 0 : i32
      %dma_start3A_865 = arith.constant 0 : i32
      %dma_start3A_866 = tpu.memref_slice %arg6[%select_n3A_817, %dma_start3A_864, %dma_start3A_865] : memref<4x80x128xf32, #tpu.memory_space<vmem>> -> memref<1x80x128xf32, #tpu.memory_space<vmem>>
      %dma_start3A_867 = tpu.memref_squeeze %dma_start3A_866 : memref<1x80x128xf32, #tpu.memory_space<vmem>> -> memref<80x128xf32, #tpu.memory_space<vmem>>
      tpu.enqueue_dma source(%dma_start3A_867 : memref<80x128xf32, #tpu.memory_space<vmem>>) target(%dma_start3A_863 : memref<80x128xf32, #tpu.memory_space<vmem_shared>>) target_semaphore(%dma_start3A_859 : memref<!tpu.dma_semaphore, #tpu.memory_space<semaphore_mem>>)
      %sub3A_868 = arith.constant 2 : i32
      %sub3A_869 = arith.subi %add3A_746, %sub3A_868 : i32
      %jit3A_870 = arith.constant 4 : i32
      %eq3A_871 = arith.constant 0 : i32
      %eq3A_872 = arith.cmpi eq, %jit3A_870, %eq3A_871 : i32
      %jit3A_873 = arith.constant 1 : i32
      %select_n3A_874 = arith.select %eq3A_872, %jit3A_873, %jit3A_870 : i32
      %rem3A_875 = arith.remsi %sub3A_869, %select_n3A_874 : i32
      %ne3A_876 = arith.constant 0 : i32
      %ne3A_877 = arith.cmpi ne, %rem3A_875, %ne3A_876 : i32
      %lt3A_878 = arith.constant 0 : i32
      %lt3A_879 = arith.cmpi slt, %rem3A_875, %lt3A_878 : i32
      %lt3A_880 = arith.constant 0 : i32
      %lt3A_881 = arith.cmpi slt, %select_n3A_874, %lt3A_880 : i32
      %ne3A_882 = arith.xori %lt3A_879, %lt3A_881 : i1
      %and3A_883 = arith.andi %ne3A_882, %ne3A_877 : i1
      %add3A_884 = arith.addi %rem3A_875, %select_n3A_874 : i32
      %select_n3A_885 = arith.select %and3A_883, %add3A_884, %rem3A_875 : i32
      %jit3A_886 = arith.constant 4 : i32
      %eq3A_887 = arith.constant 0 : i32
      %eq3A_888 = arith.cmpi eq, %jit3A_886, %eq3A_887 : i32
      %jit3A_889 = arith.constant 1 : i32
      %select_n3A_890 = arith.select %eq3A_888, %jit3A_889, %jit3A_886 : i32
      %rem3A_891 = arith.remsi %sub3A_869, %select_n3A_890 : i32
      %ne3A_892 = arith.constant 0 : i32
      %ne3A_893 = arith.cmpi ne, %rem3A_891, %ne3A_892 : i32
      %lt3A_894 = arith.constant 0 : i32
      %lt3A_895 = arith.cmpi slt, %rem3A_891, %lt3A_894 : i32
      %lt3A_896 = arith.constant 0 : i32
      %lt3A_897 = arith.cmpi slt, %select_n3A_890, %lt3A_896 : i32
      %ne3A_898 = arith.xori %lt3A_895, %lt3A_897 : i1
      %and3A_899 = arith.andi %ne3A_898, %ne3A_893 : i1
      %add3A_900 = arith.addi %rem3A_891, %select_n3A_890 : i32
      %select_n3A_901 = arith.select %and3A_899, %add3A_900, %rem3A_891 : i32
      %dma_wait3A_902 = arith.constant 0 : i32
      %dma_wait3A_903 = arith.constant 0 : i32
      %dma_wait3A_904 = tpu.memref_slice %arg6[%select_n3A_901, %dma_wait3A_902, %dma_wait3A_903] : memref<4x80x128xf32, #tpu.memory_space<vmem>> -> memref<1x80x128xf32, #tpu.memory_space<vmem>>
      %dma_wait3A_905 = tpu.memref_squeeze %dma_wait3A_904 : memref<1x80x128xf32, #tpu.memory_space<vmem>> -> memref<80x128xf32, #tpu.memory_space<vmem>>
      %dma_wait3A_906 = arith.constant 0 : i32
      %dma_wait3A_907 = arith.constant 0 : i32
      %dma_wait3A_908 = tpu.memref_slice %arg7[%arg1, %select_n3A_885, %dma_wait3A_906, %dma_wait3A_907] : memref<16x4x80x128xf32, #tpu.memory_space<vmem_shared>> -> memref<1x1x80x128xf32, #tpu.memory_space<vmem_shared>>
      %dma_wait3A_909 = tpu.memref_squeeze %dma_wait3A_908 : memref<1x1x80x128xf32, #tpu.memory_space<vmem_shared>> -> memref<80x128xf32, #tpu.memory_space<vmem_shared>>
      %dma_wait3A_910 = tpu.memref_slice %arg9[%select_n3A_885] : memref<4x!tpu.dma_semaphore, #tpu.memory_space<semaphore_mem>> -> memref<1x!tpu.dma_semaphore, #tpu.memory_space<semaphore_mem>>
      %dma_wait3A_911 = tpu.memref_squeeze %dma_wait3A_910 : memref<1x!tpu.dma_semaphore, #tpu.memory_space<semaphore_mem>> -> memref<!tpu.dma_semaphore, #tpu.memory_space<semaphore_mem>>
      %dma_wait3A_912 = arith.constant 0 : i32
      %dma_wait3A_913 = arith.constant 0 : i32
      %dma_wait3A_914 = tpu.memref_slice %arg7[%arg1, %select_n3A_885, %dma_wait3A_912, %dma_wait3A_913] : memref<16x4x80x128xf32, #tpu.memory_space<vmem_shared>> -> memref<1x1x80x128xf32, #tpu.memory_space<vmem_shared>>
      %dma_wait3A_915 = tpu.memref_squeeze %dma_wait3A_914 : memref<1x1x80x128xf32, #tpu.memory_space<vmem_shared>> -> memref<80x128xf32, #tpu.memory_space<vmem_shared>>
      %dma_wait3A_916 = arith.constant 0 : i32
      %dma_wait3A_917 = arith.constant 0 : i32
      %dma_wait3A_918 = tpu.memref_slice %arg6[%select_n3A_901, %dma_wait3A_916, %dma_wait3A_917] : memref<4x80x128xf32, #tpu.memory_space<vmem>> -> memref<1x80x128xf32, #tpu.memory_space<vmem>>
      %dma_wait3A_919 = tpu.memref_squeeze %dma_wait3A_918 : memref<1x80x128xf32, #tpu.memory_space<vmem>> -> memref<80x128xf32, #tpu.memory_space<vmem>>
      tpu.wait_dma2 semaphore(%dma_wait3A_911 : memref<!tpu.dma_semaphore, #tpu.memory_space<semaphore_mem>>) src(%dma_wait3A_919 : memref<80x128xf32, #tpu.memory_space<vmem>>) dst(%dma_wait3A_915 : memref<80x128xf32, #tpu.memory_space<vmem_shared>>)
      %mul3A_920 = arith.constant 80 : i32
      %mul3A_921 = arith.muli %sub3A_869, %mul3A_920 : i32
      %add3A_922 = arith.addi %mul3A_2, %mul3A_921 : i32
      %dma_start3A_923 = tpu.memref_slice %arg10[%select_n3A_885] : memref<4x!tpu.dma_semaphore, #tpu.memory_space<semaphore_mem>> -> memref<1x!tpu.dma_semaphore, #tpu.memory_space<semaphore_mem>>
      %dma_start3A_924 = tpu.memref_squeeze %dma_start3A_923 : memref<1x!tpu.dma_semaphore, #tpu.memory_space<semaphore_mem>> -> memref<!tpu.dma_semaphore, #tpu.memory_space<semaphore_mem>>
      %dma_start3A_925 = arith.constant 0 : i32
      %dma_start3A_926 = tpu.memref_slice %arg4[%add3A_922, %dma_start3A_925] : memref<204800x128xf32, #tpu.memory_space<hbm>> -> memref<80x128xf32, #tpu.memory_space<hbm>>
      %dma_start3A_927 = arith.constant 0 : i32
      %dma_start3A_928 = arith.constant 0 : i32
      %dma_start3A_929 = tpu.memref_slice %arg7[%arg1, %select_n3A_885, %dma_start3A_927, %dma_start3A_928] : memref<16x4x80x128xf32, #tpu.memory_space<vmem_shared>> -> memref<1x1x80x128xf32, #tpu.memory_space<vmem_shared>>
      %dma_start3A_930 = tpu.memref_squeeze %dma_start3A_929 : memref<1x1x80x128xf32, #tpu.memory_space<vmem_shared>> -> memref<80x128xf32, #tpu.memory_space<vmem_shared>>
      tpu.enqueue_dma source(%dma_start3A_930 : memref<80x128xf32, #tpu.memory_space<vmem_shared>>) target(%dma_start3A_926 : memref<80x128xf32, #tpu.memory_space<hbm>>) target_semaphore(%dma_start3A_924 : memref<!tpu.dma_semaphore, #tpu.memory_space<semaphore_mem>>)
      %mul3A_931 = arith.constant 4 : i32
      %mul3A_932 = arith.muli %scan3A_742, %mul3A_931 : i32
      %add3A_933 = arith.constant 1 : i32
      %add3A_934 = arith.addi %mul3A_932, %add3A_933 : i32
      %mul3A_935 = arith.constant 80 : i32
      %mul3A_936 = arith.muli %add3A_934, %mul3A_935 : i32
      %dma_start3A_937 = arith.constant 1 : i32
      %dma_start3A_938 = arith.constant 1 : i32
      %dma_start3A_939 = arith.constant 0 : i32
      %dma_start3A_940 = arith.constant 0 : i32
      %dma_start3A_941 = tpu.memref_slice %arg6[%dma_start3A_937, %dma_start3A_939, %dma_start3A_940] : memref<4x80x128xf32, #tpu.memory_space<vmem>> -> memref<1x80x128xf32, #tpu.memory_space<vmem>>
      %dma_start3A_942 = tpu.memref_squeeze %dma_start3A_941 : memref<1x80x128xf32, #tpu.memory_space<vmem>> -> memref<80x128xf32, #tpu.memory_space<vmem>>
      %dma_start3A_943 = tpu.memref_slice %arg5[%mul3A_936] : memref<6400xi32, #tpu.memory_space<vmem>> -> memref<80xi32, #tpu.memory_space<vmem>>
      %dma_start3A_944 = arith.constant 0 : i32
      %dma_start3A_945 = arith.constant 0 : i32
      %dma_start3A_946 = tpu.memref_slice %arg3[%dma_start3A_944, %dma_start3A_945] : memref<100000x128xf32, #tpu.memory_space<hbm>> -> memref<100000x128xf32, #tpu.memory_space<hbm>>
      %dma_start3A_947 = tpu.memref_slice %arg8[%dma_start3A_938] : memref<4x!tpu.dma_semaphore, #tpu.memory_space<semaphore_mem>> -> memref<1x!tpu.dma_semaphore, #tpu.memory_space<semaphore_mem>>
      %dma_start3A_948 = tpu.memref_squeeze %dma_start3A_947 : memref<1x!tpu.dma_semaphore, #tpu.memory_space<semaphore_mem>> -> memref<!tpu.dma_semaphore, #tpu.memory_space<semaphore_mem>>
      tpu.enqueue_indirect_dma source(%dma_start3A_946 : memref<100000x128xf32, #tpu.memory_space<hbm>>) target(%dma_start3A_942 : memref<80x128xf32, #tpu.memory_space<vmem>>) offsets(%dma_start3A_943 : memref<80xi32, #tpu.memory_space<vmem>>) semaphore(%dma_start3A_948 : memref<!tpu.dma_semaphore, #tpu.memory_space<semaphore_mem>>)
      %sub3A_949 = arith.constant 1 : i32
      %sub3A_950 = arith.subi %add3A_934, %sub3A_949 : i32
      %mul3A_951 = arith.constant 80 : i32
      %mul3A_952 = arith.muli %sub3A_950, %mul3A_951 : i32
      %dma_wait3A_953 = arith.constant 0 : i32
      %dma_wait3A_954 = arith.constant 0 : i32
      %dma_wait3A_955 = arith.constant 0 : i32
      %dma_wait3A_956 = arith.constant 0 : i32
      %dma_wait3A_957 = tpu.memref_slice %arg6[%dma_wait3A_953, %dma_wait3A_955, %dma_wait3A_956] : memref<4x80x128xf32, #tpu.memory_space<vmem>> -> memref<1x80x128xf32, #tpu.memory_space<vmem>>
      %dma_wait3A_958 = tpu.memref_squeeze %dma_wait3A_957 : memref<1x80x128xf32, #tpu.memory_space<vmem>> -> memref<80x128xf32, #tpu.memory_space<vmem>>
      %dma_wait3A_959 = tpu.memref_slice %arg5[%mul3A_952] : memref<6400xi32, #tpu.memory_space<vmem>> -> memref<80xi32, #tpu.memory_space<vmem>>
      %dma_wait3A_960 = arith.constant 0 : i32
      %dma_wait3A_961 = arith.constant 0 : i32
      %dma_wait3A_962 = tpu.memref_slice %arg3[%dma_wait3A_960, %dma_wait3A_961] : memref<100000x128xf32, #tpu.memory_space<hbm>> -> memref<100000x128xf32, #tpu.memory_space<hbm>>
      %dma_wait3A_963 = tpu.memref_slice %arg8[%dma_wait3A_954] : memref<4x!tpu.dma_semaphore, #tpu.memory_space<semaphore_mem>> -> memref<1x!tpu.dma_semaphore, #tpu.memory_space<semaphore_mem>>
      %dma_wait3A_964 = tpu.memref_squeeze %dma_wait3A_963 : memref<1x!tpu.dma_semaphore, #tpu.memory_space<semaphore_mem>> -> memref<!tpu.dma_semaphore, #tpu.memory_space<semaphore_mem>>
      tpu.wait_indirect_dma semaphore(%dma_wait3A_964 : memref<!tpu.dma_semaphore, #tpu.memory_space<semaphore_mem>>) src(%dma_wait3A_962 : memref<100000x128xf32, #tpu.memory_space<hbm>>) dst(%dma_wait3A_958 : memref<80x128xf32, #tpu.memory_space<vmem>>)
      %sub3A_965 = arith.constant 1 : i32
      %sub3A_966 = arith.subi %add3A_934, %sub3A_965 : i32
      %sub3A_967 = arith.constant 4 : i32
      %sub3A_968 = arith.subi %sub3A_966, %sub3A_967 : i32
      %jit3A_969 = arith.constant 4 : i32
      %eq3A_970 = arith.constant 0 : i32
      %eq3A_971 = arith.cmpi eq, %jit3A_969, %eq3A_970 : i32
      %jit3A_972 = arith.constant 1 : i32
      %select_n3A_973 = arith.select %eq3A_971, %jit3A_972, %jit3A_969 : i32
      %rem3A_974 = arith.remsi %sub3A_968, %select_n3A_973 : i32
      %ne3A_975 = arith.constant 0 : i32
      %ne3A_976 = arith.cmpi ne, %rem3A_974, %ne3A_975 : i32
      %lt3A_977 = arith.constant 0 : i32
      %lt3A_978 = arith.cmpi slt, %rem3A_974, %lt3A_977 : i32
      %lt3A_979 = arith.constant 0 : i32
      %lt3A_980 = arith.cmpi slt, %select_n3A_973, %lt3A_979 : i32
      %ne3A_981 = arith.xori %lt3A_978, %lt3A_980 : i1
      %and3A_982 = arith.andi %ne3A_981, %ne3A_976 : i1
      %add3A_983 = arith.addi %rem3A_974, %select_n3A_973 : i32
      %select_n3A_984 = arith.select %and3A_982, %add3A_983, %rem3A_974 : i32
      %mul3A_985 = arith.constant 80 : i32
      %mul3A_986 = arith.muli %sub3A_968, %mul3A_985 : i32
      %add3A_987 = arith.addi %mul3A_2, %mul3A_986 : i32
      %dma_wait3A_988 = tpu.memref_slice %arg10[%select_n3A_984] : memref<4x!tpu.dma_semaphore, #tpu.memory_space<semaphore_mem>> -> memref<1x!tpu.dma_semaphore, #tpu.memory_space<semaphore_mem>>
      %dma_wait3A_989 = tpu.memref_squeeze %dma_wait3A_988 : memref<1x!tpu.dma_semaphore, #tpu.memory_space<semaphore_mem>> -> memref<!tpu.dma_semaphore, #tpu.memory_space<semaphore_mem>>
      %dma_wait3A_990 = arith.constant 0 : i32
      %dma_wait3A_991 = tpu.memref_slice %arg4[%add3A_987, %dma_wait3A_990] : memref<204800x128xf32, #tpu.memory_space<hbm>> -> memref<80x128xf32, #tpu.memory_space<hbm>>
      %dma_wait3A_992 = arith.constant 0 : i32
      %dma_wait3A_993 = arith.constant 0 : i32
      %dma_wait3A_994 = tpu.memref_slice %arg7[%arg1, %select_n3A_984, %dma_wait3A_992, %dma_wait3A_993] : memref<16x4x80x128xf32, #tpu.memory_space<vmem_shared>> -> memref<1x1x80x128xf32, #tpu.memory_space<vmem_shared>>
      %dma_wait3A_995 = tpu.memref_squeeze %dma_wait3A_994 : memref<1x1x80x128xf32, #tpu.memory_space<vmem_shared>> -> memref<80x128xf32, #tpu.memory_space<vmem_shared>>
      tpu.wait_dma2 semaphore(%dma_wait3A_989 : memref<!tpu.dma_semaphore, #tpu.memory_space<semaphore_mem>>) src(%dma_wait3A_995 : memref<80x128xf32, #tpu.memory_space<vmem_shared>>) dst(%dma_wait3A_991 : memref<80x128xf32, #tpu.memory_space<hbm>>)
      %sub3A_996 = arith.constant 1 : i32
      %sub3A_997 = arith.subi %add3A_934, %sub3A_996 : i32
      %jit3A_998 = arith.constant 4 : i32
      %eq3A_999 = arith.constant 0 : i32
      %eq3A_1000 = arith.cmpi eq, %jit3A_998, %eq3A_999 : i32
      %jit3A_1001 = arith.constant 1 : i32
      %select_n3A_1002 = arith.select %eq3A_1000, %jit3A_1001, %jit3A_998 : i32
      %rem3A_1003 = arith.remsi %sub3A_997, %select_n3A_1002 : i32
      %ne3A_1004 = arith.constant 0 : i32
      %ne3A_1005 = arith.cmpi ne, %rem3A_1003, %ne3A_1004 : i32
      %lt3A_1006 = arith.constant 0 : i32
      %lt3A_1007 = arith.cmpi slt, %rem3A_1003, %lt3A_1006 : i32
      %lt3A_1008 = arith.constant 0 : i32
      %lt3A_1009 = arith.cmpi slt, %select_n3A_1002, %lt3A_1008 : i32
      %ne3A_1010 = arith.xori %lt3A_1007, %lt3A_1009 : i1
      %and3A_1011 = arith.andi %ne3A_1010, %ne3A_1005 : i1
      %add3A_1012 = arith.addi %rem3A_1003, %select_n3A_1002 : i32
      %select_n3A_1013 = arith.select %and3A_1011, %add3A_1012, %rem3A_1003 : i32
      %jit3A_1014 = arith.constant 4 : i32
      %eq3A_1015 = arith.constant 0 : i32
      %eq3A_1016 = arith.cmpi eq, %jit3A_1014, %eq3A_1015 : i32
      %jit3A_1017 = arith.constant 1 : i32
      %select_n3A_1018 = arith.select %eq3A_1016, %jit3A_1017, %jit3A_1014 : i32
      %rem3A_1019 = arith.remsi %sub3A_997, %select_n3A_1018 : i32
      %ne3A_1020 = arith.constant 0 : i32
      %ne3A_1021 = arith.cmpi ne, %rem3A_1019, %ne3A_1020 : i32
      %lt3A_1022 = arith.constant 0 : i32
      %lt3A_1023 = arith.cmpi slt, %rem3A_1019, %lt3A_1022 : i32
      %lt3A_1024 = arith.constant 0 : i32
      %lt3A_1025 = arith.cmpi slt, %select_n3A_1018, %lt3A_1024 : i32
      %ne3A_1026 = arith.xori %lt3A_1023, %lt3A_1025 : i1
      %and3A_1027 = arith.andi %ne3A_1026, %ne3A_1021 : i1
      %add3A_1028 = arith.addi %rem3A_1019, %select_n3A_1018 : i32
      %select_n3A_1029 = arith.select %and3A_1027, %add3A_1028, %rem3A_1019 : i32
      %jit3A_1030 = arith.constant 4 : i32
      %eq3A_1031 = arith.constant 0 : i32
      %eq3A_1032 = arith.cmpi eq, %jit3A_1030, %eq3A_1031 : i32
      %jit3A_1033 = arith.constant 1 : i32
      %select_n3A_1034 = arith.select %eq3A_1032, %jit3A_1033, %jit3A_1030 : i32
      %rem3A_1035 = arith.remsi %sub3A_997, %select_n3A_1034 : i32
      %ne3A_1036 = arith.constant 0 : i32
      %ne3A_1037 = arith.cmpi ne, %rem3A_1035, %ne3A_1036 : i32
      %lt3A_1038 = arith.constant 0 : i32
      %lt3A_1039 = arith.cmpi slt, %rem3A_1035, %lt3A_1038 : i32
      %lt3A_1040 = arith.constant 0 : i32
      %lt3A_1041 = arith.cmpi slt, %select_n3A_1034, %lt3A_1040 : i32
      %ne3A_1042 = arith.xori %lt3A_1039, %lt3A_1041 : i1
      %and3A_1043 = arith.andi %ne3A_1042, %ne3A_1037 : i1
      %add3A_1044 = arith.addi %rem3A_1035, %select_n3A_1034 : i32
      %select_n3A_1045 = arith.select %and3A_1043, %add3A_1044, %rem3A_1035 : i32
      %dma_start3A_1046 = arith.constant 0 : i32
      %dma_start3A_1047 = arith.constant 0 : i32
      %dma_start3A_1048 = tpu.memref_slice %arg6[%select_n3A_1013, %dma_start3A_1046, %dma_start3A_1047] : memref<4x80x128xf32, #tpu.memory_space<vmem>> -> memref<1x80x128xf32, #tpu.memory_space<vmem>>
      %dma_start3A_1049 = tpu.memref_squeeze %dma_start3A_1048 : memref<1x80x128xf32, #tpu.memory_space<vmem>> -> memref<80x128xf32, #tpu.memory_space<vmem>>
      %dma_start3A_1050 = arith.constant 0 : i32
      %dma_start3A_1051 = arith.constant 0 : i32
      %dma_start3A_1052 = tpu.memref_slice %arg7[%arg1, %select_n3A_1029, %dma_start3A_1050, %dma_start3A_1051] : memref<16x4x80x128xf32, #tpu.memory_space<vmem_shared>> -> memref<1x1x80x128xf32, #tpu.memory_space<vmem_shared>>
      %dma_start3A_1053 = tpu.memref_squeeze %dma_start3A_1052 : memref<1x1x80x128xf32, #tpu.memory_space<vmem_shared>> -> memref<80x128xf32, #tpu.memory_space<vmem_shared>>
      %dma_start3A_1054 = tpu.memref_slice %arg9[%select_n3A_1045] : memref<4x!tpu.dma_semaphore, #tpu.memory_space<semaphore_mem>> -> memref<1x!tpu.dma_semaphore, #tpu.memory_space<semaphore_mem>>
      %dma_start3A_1055 = tpu.memref_squeeze %dma_start3A_1054 : memref<1x!tpu.dma_semaphore, #tpu.memory_space<semaphore_mem>> -> memref<!tpu.dma_semaphore, #tpu.memory_space<semaphore_mem>>
      %dma_start3A_1056 = arith.constant 0 : i32
      %dma_start3A_1057 = arith.constant 0 : i32
      %dma_start3A_1058 = tpu.memref_slice %arg7[%arg1, %select_n3A_1029, %dma_start3A_1056, %dma_start3A_1057] : memref<16x4x80x128xf32, #tpu.memory_space<vmem_shared>> -> memref<1x1x80x128xf32, #tpu.memory_space<vmem_shared>>
      %dma_start3A_1059 = tpu.memref_squeeze %dma_start3A_1058 : memref<1x1x80x128xf32, #tpu.memory_space<vmem_shared>> -> memref<80x128xf32, #tpu.memory_space<vmem_shared>>
      %dma_start3A_1060 = arith.constant 0 : i32
      %dma_start3A_1061 = arith.constant 0 : i32
      %dma_start3A_1062 = tpu.memref_slice %arg6[%select_n3A_1013, %dma_start3A_1060, %dma_start3A_1061] : memref<4x80x128xf32, #tpu.memory_space<vmem>> -> memref<1x80x128xf32, #tpu.memory_space<vmem>>
      %dma_start3A_1063 = tpu.memref_squeeze %dma_start3A_1062 : memref<1x80x128xf32, #tpu.memory_space<vmem>> -> memref<80x128xf32, #tpu.memory_space<vmem>>
      tpu.enqueue_dma source(%dma_start3A_1063 : memref<80x128xf32, #tpu.memory_space<vmem>>) target(%dma_start3A_1059 : memref<80x128xf32, #tpu.memory_space<vmem_shared>>) target_semaphore(%dma_start3A_1055 : memref<!tpu.dma_semaphore, #tpu.memory_space<semaphore_mem>>)
      %sub3A_1064 = arith.constant 2 : i32
      %sub3A_1065 = arith.subi %add3A_934, %sub3A_1064 : i32
      %jit3A_1066 = arith.constant 4 : i32
      %eq3A_1067 = arith.constant 0 : i32
      %eq3A_1068 = arith.cmpi eq, %jit3A_1066, %eq3A_1067 : i32
      %jit3A_1069 = arith.constant 1 : i32
      %select_n3A_1070 = arith.select %eq3A_1068, %jit3A_1069, %jit3A_1066 : i32
      %rem3A_1071 = arith.remsi %sub3A_1065, %select_n3A_1070 : i32
      %ne3A_1072 = arith.constant 0 : i32
      %ne3A_1073 = arith.cmpi ne, %rem3A_1071, %ne3A_1072 : i32
      %lt3A_1074 = arith.constant 0 : i32
      %lt3A_1075 = arith.cmpi slt, %rem3A_1071, %lt3A_1074 : i32
      %lt3A_1076 = arith.constant 0 : i32
      %lt3A_1077 = arith.cmpi slt, %select_n3A_1070, %lt3A_1076 : i32
      %ne3A_1078 = arith.xori %lt3A_1075, %lt3A_1077 : i1
      %and3A_1079 = arith.andi %ne3A_1078, %ne3A_1073 : i1
      %add3A_1080 = arith.addi %rem3A_1071, %select_n3A_1070 : i32
      %select_n3A_1081 = arith.select %and3A_1079, %add3A_1080, %rem3A_1071 : i32
      %jit3A_1082 = arith.constant 4 : i32
      %eq3A_1083 = arith.constant 0 : i32
      %eq3A_1084 = arith.cmpi eq, %jit3A_1082, %eq3A_1083 : i32
      %jit3A_1085 = arith.constant 1 : i32
      %select_n3A_1086 = arith.select %eq3A_1084, %jit3A_1085, %jit3A_1082 : i32
      %rem3A_1087 = arith.remsi %sub3A_1065, %select_n3A_1086 : i32
      %ne3A_1088 = arith.constant 0 : i32
      %ne3A_1089 = arith.cmpi ne, %rem3A_1087, %ne3A_1088 : i32
      %lt3A_1090 = arith.constant 0 : i32
      %lt3A_1091 = arith.cmpi slt, %rem3A_1087, %lt3A_1090 : i32
      %lt3A_1092 = arith.constant 0 : i32
      %lt3A_1093 = arith.cmpi slt, %select_n3A_1086, %lt3A_1092 : i32
      %ne3A_1094 = arith.xori %lt3A_1091, %lt3A_1093 : i1
      %and3A_1095 = arith.andi %ne3A_1094, %ne3A_1089 : i1
      %add3A_1096 = arith.addi %rem3A_1087, %select_n3A_1086 : i32
      %select_n3A_1097 = arith.select %and3A_1095, %add3A_1096, %rem3A_1087 : i32
      %dma_wait3A_1098 = arith.constant 0 : i32
      %dma_wait3A_1099 = arith.constant 0 : i32
      %dma_wait3A_1100 = tpu.memref_slice %arg6[%select_n3A_1097, %dma_wait3A_1098, %dma_wait3A_1099] : memref<4x80x128xf32, #tpu.memory_space<vmem>> -> memref<1x80x128xf32, #tpu.memory_space<vmem>>
      %dma_wait3A_1101 = tpu.memref_squeeze %dma_wait3A_1100 : memref<1x80x128xf32, #tpu.memory_space<vmem>> -> memref<80x128xf32, #tpu.memory_space<vmem>>
      %dma_wait3A_1102 = arith.constant 0 : i32
      %dma_wait3A_1103 = arith.constant 0 : i32
      %dma_wait3A_1104 = tpu.memref_slice %arg7[%arg1, %select_n3A_1081, %dma_wait3A_1102, %dma_wait3A_1103] : memref<16x4x80x128xf32, #tpu.memory_space<vmem_shared>> -> memref<1x1x80x128xf32, #tpu.memory_space<vmem_shared>>
      %dma_wait3A_1105 = tpu.memref_squeeze %dma_wait3A_1104 : memref<1x1x80x128xf32, #tpu.memory_space<vmem_shared>> -> memref<80x128xf32, #tpu.memory_space<vmem_shared>>
      %dma_wait3A_1106 = tpu.memref_slice %arg9[%select_n3A_1081] : memref<4x!tpu.dma_semaphore, #tpu.memory_space<semaphore_mem>> -> memref<1x!tpu.dma_semaphore, #tpu.memory_space<semaphore_mem>>
      %dma_wait3A_1107 = tpu.memref_squeeze %dma_wait3A_1106 : memref<1x!tpu.dma_semaphore, #tpu.memory_space<semaphore_mem>> -> memref<!tpu.dma_semaphore, #tpu.memory_space<semaphore_mem>>
      %dma_wait3A_1108 = arith.constant 0 : i32
      %dma_wait3A_1109 = arith.constant 0 : i32
      %dma_wait3A_1110 = tpu.memref_slice %arg7[%arg1, %select_n3A_1081, %dma_wait3A_1108, %dma_wait3A_1109] : memref<16x4x80x128xf32, #tpu.memory_space<vmem_shared>> -> memref<1x1x80x128xf32, #tpu.memory_space<vmem_shared>>
      %dma_wait3A_1111 = tpu.memref_squeeze %dma_wait3A_1110 : memref<1x1x80x128xf32, #tpu.memory_space<vmem_shared>> -> memref<80x128xf32, #tpu.memory_space<vmem_shared>>
      %dma_wait3A_1112 = arith.constant 0 : i32
      %dma_wait3A_1113 = arith.constant 0 : i32
      %dma_wait3A_1114 = tpu.memref_slice %arg6[%select_n3A_1097, %dma_wait3A_1112, %dma_wait3A_1113] : memref<4x80x128xf32, #tpu.memory_space<vmem>> -> memref<1x80x128xf32, #tpu.memory_space<vmem>>
      %dma_wait3A_1115 = tpu.memref_squeeze %dma_wait3A_1114 : memref<1x80x128xf32, #tpu.memory_space<vmem>> -> memref<80x128xf32, #tpu.memory_space<vmem>>
      tpu.wait_dma2 semaphore(%dma_wait3A_1107 : memref<!tpu.dma_semaphore, #tpu.memory_space<semaphore_mem>>) src(%dma_wait3A_1115 : memref<80x128xf32, #tpu.memory_space<vmem>>) dst(%dma_wait3A_1111 : memref<80x128xf32, #tpu.memory_space<vmem_shared>>)
      %mul3A_1116 = arith.constant 80 : i32
      %mul3A_1117 = arith.muli %sub3A_1065, %mul3A_1116 : i32
      %add3A_1118 = arith.addi %mul3A_2, %mul3A_1117 : i32
      %dma_start3A_1119 = tpu.memref_slice %arg10[%select_n3A_1081] : memref<4x!tpu.dma_semaphore, #tpu.memory_space<semaphore_mem>> -> memref<1x!tpu.dma_semaphore, #tpu.memory_space<semaphore_mem>>
      %dma_start3A_1120 = tpu.memref_squeeze %dma_start3A_1119 : memref<1x!tpu.dma_semaphore, #tpu.memory_space<semaphore_mem>> -> memref<!tpu.dma_semaphore, #tpu.memory_space<semaphore_mem>>
      %dma_start3A_1121 = arith.constant 0 : i32
      %dma_start3A_1122 = tpu.memref_slice %arg4[%add3A_1118, %dma_start3A_1121] : memref<204800x128xf32, #tpu.memory_space<hbm>> -> memref<80x128xf32, #tpu.memory_space<hbm>>
      %dma_start3A_1123 = arith.constant 0 : i32
      %dma_start3A_1124 = arith.constant 0 : i32
      %dma_start3A_1125 = tpu.memref_slice %arg7[%arg1, %select_n3A_1081, %dma_start3A_1123, %dma_start3A_1124] : memref<16x4x80x128xf32, #tpu.memory_space<vmem_shared>> -> memref<1x1x80x128xf32, #tpu.memory_space<vmem_shared>>
      %dma_start3A_1126 = tpu.memref_squeeze %dma_start3A_1125 : memref<1x1x80x128xf32, #tpu.memory_space<vmem_shared>> -> memref<80x128xf32, #tpu.memory_space<vmem_shared>>
      tpu.enqueue_dma source(%dma_start3A_1126 : memref<80x128xf32, #tpu.memory_space<vmem_shared>>) target(%dma_start3A_1122 : memref<80x128xf32, #tpu.memory_space<hbm>>) target_semaphore(%dma_start3A_1120 : memref<!tpu.dma_semaphore, #tpu.memory_space<semaphore_mem>>)
      %mul3A_1127 = arith.constant 4 : i32
      %mul3A_1128 = arith.muli %scan3A_742, %mul3A_1127 : i32
      %add3A_1129 = arith.constant 2 : i32
      %add3A_1130 = arith.addi %mul3A_1128, %add3A_1129 : i32
      %mul3A_1131 = arith.constant 80 : i32
      %mul3A_1132 = arith.muli %add3A_1130, %mul3A_1131 : i32
      %dma_start3A_1133 = arith.constant 2 : i32
      %dma_start3A_1134 = arith.constant 2 : i32
      %dma_start3A_1135 = arith.constant 0 : i32
      %dma_start3A_1136 = arith.constant 0 : i32
      %dma_start3A_1137 = tpu.memref_slice %arg6[%dma_start3A_1133, %dma_start3A_1135, %dma_start3A_1136] : memref<4x80x128xf32, #tpu.memory_space<vmem>> -> memref<1x80x128xf32, #tpu.memory_space<vmem>>
      %dma_start3A_1138 = tpu.memref_squeeze %dma_start3A_1137 : memref<1x80x128xf32, #tpu.memory_space<vmem>> -> memref<80x128xf32, #tpu.memory_space<vmem>>
      %dma_start3A_1139 = tpu.memref_slice %arg5[%mul3A_1132] : memref<6400xi32, #tpu.memory_space<vmem>> -> memref<80xi32, #tpu.memory_space<vmem>>
      %dma_start3A_1140 = arith.constant 0 : i32
      %dma_start3A_1141 = arith.constant 0 : i32
      %dma_start3A_1142 = tpu.memref_slice %arg3[%dma_start3A_1140, %dma_start3A_1141] : memref<100000x128xf32, #tpu.memory_space<hbm>> -> memref<100000x128xf32, #tpu.memory_space<hbm>>
      %dma_start3A_1143 = tpu.memref_slice %arg8[%dma_start3A_1134] : memref<4x!tpu.dma_semaphore, #tpu.memory_space<semaphore_mem>> -> memref<1x!tpu.dma_semaphore, #tpu.memory_space<semaphore_mem>>
      %dma_start3A_1144 = tpu.memref_squeeze %dma_start3A_1143 : memref<1x!tpu.dma_semaphore, #tpu.memory_space<semaphore_mem>> -> memref<!tpu.dma_semaphore, #tpu.memory_space<semaphore_mem>>
      tpu.enqueue_indirect_dma source(%dma_start3A_1142 : memref<100000x128xf32, #tpu.memory_space<hbm>>) target(%dma_start3A_1138 : memref<80x128xf32, #tpu.memory_space<vmem>>) offsets(%dma_start3A_1139 : memref<80xi32, #tpu.memory_space<vmem>>) semaphore(%dma_start3A_1144 : memref<!tpu.dma_semaphore, #tpu.memory_space<semaphore_mem>>)
      %sub3A_1145 = arith.constant 1 : i32
      %sub3A_1146 = arith.subi %add3A_1130, %sub3A_1145 : i32
      %mul3A_1147 = arith.constant 80 : i32
      %mul3A_1148 = arith.muli %sub3A_1146, %mul3A_1147 : i32
      %dma_wait3A_1149 = arith.constant 1 : i32
      %dma_wait3A_1150 = arith.constant 1 : i32
      %dma_wait3A_1151 = arith.constant 0 : i32
      %dma_wait3A_1152 = arith.constant 0 : i32
      %dma_wait3A_1153 = tpu.memref_slice %arg6[%dma_wait3A_1149, %dma_wait3A_1151, %dma_wait3A_1152] : memref<4x80x128xf32, #tpu.memory_space<vmem>> -> memref<1x80x128xf32, #tpu.memory_space<vmem>>
      %dma_wait3A_1154 = tpu.memref_squeeze %dma_wait3A_1153 : memref<1x80x128xf32, #tpu.memory_space<vmem>> -> memref<80x128xf32, #tpu.memory_space<vmem>>
      %dma_wait3A_1155 = tpu.memref_slice %arg5[%mul3A_1148] : memref<6400xi32, #tpu.memory_space<vmem>> -> memref<80xi32, #tpu.memory_space<vmem>>
      %dma_wait3A_1156 = arith.constant 0 : i32
      %dma_wait3A_1157 = arith.constant 0 : i32
      %dma_wait3A_1158 = tpu.memref_slice %arg3[%dma_wait3A_1156, %dma_wait3A_1157] : memref<100000x128xf32, #tpu.memory_space<hbm>> -> memref<100000x128xf32, #tpu.memory_space<hbm>>
      %dma_wait3A_1159 = tpu.memref_slice %arg8[%dma_wait3A_1150] : memref<4x!tpu.dma_semaphore, #tpu.memory_space<semaphore_mem>> -> memref<1x!tpu.dma_semaphore, #tpu.memory_space<semaphore_mem>>
      %dma_wait3A_1160 = tpu.memref_squeeze %dma_wait3A_1159 : memref<1x!tpu.dma_semaphore, #tpu.memory_space<semaphore_mem>> -> memref<!tpu.dma_semaphore, #tpu.memory_space<semaphore_mem>>
      tpu.wait_indirect_dma semaphore(%dma_wait3A_1160 : memref<!tpu.dma_semaphore, #tpu.memory_space<semaphore_mem>>) src(%dma_wait3A_1158 : memref<100000x128xf32, #tpu.memory_space<hbm>>) dst(%dma_wait3A_1154 : memref<80x128xf32, #tpu.memory_space<vmem>>)
      %sub3A_1161 = arith.constant 1 : i32
      %sub3A_1162 = arith.subi %add3A_1130, %sub3A_1161 : i32
      %sub3A_1163 = arith.constant 4 : i32
      %sub3A_1164 = arith.subi %sub3A_1162, %sub3A_1163 : i32
      %jit3A_1165 = arith.constant 4 : i32
      %eq3A_1166 = arith.constant 0 : i32
      %eq3A_1167 = arith.cmpi eq, %jit3A_1165, %eq3A_1166 : i32
      %jit3A_1168 = arith.constant 1 : i32
      %select_n3A_1169 = arith.select %eq3A_1167, %jit3A_1168, %jit3A_1165 : i32
      %rem3A_1170 = arith.remsi %sub3A_1164, %select_n3A_1169 : i32
      %ne3A_1171 = arith.constant 0 : i32
      %ne3A_1172 = arith.cmpi ne, %rem3A_1170, %ne3A_1171 : i32
      %lt3A_1173 = arith.constant 0 : i32
      %lt3A_1174 = arith.cmpi slt, %rem3A_1170, %lt3A_1173 : i32
      %lt3A_1175 = arith.constant 0 : i32
      %lt3A_1176 = arith.cmpi slt, %select_n3A_1169, %lt3A_1175 : i32
      %ne3A_1177 = arith.xori %lt3A_1174, %lt3A_1176 : i1
      %and3A_1178 = arith.andi %ne3A_1177, %ne3A_1172 : i1
      %add3A_1179 = arith.addi %rem3A_1170, %select_n3A_1169 : i32
      %select_n3A_1180 = arith.select %and3A_1178, %add3A_1179, %rem3A_1170 : i32
      %mul3A_1181 = arith.constant 80 : i32
      %mul3A_1182 = arith.muli %sub3A_1164, %mul3A_1181 : i32
      %add3A_1183 = arith.addi %mul3A_2, %mul3A_1182 : i32
      %dma_wait3A_1184 = tpu.memref_slice %arg10[%select_n3A_1180] : memref<4x!tpu.dma_semaphore, #tpu.memory_space<semaphore_mem>> -> memref<1x!tpu.dma_semaphore, #tpu.memory_space<semaphore_mem>>
      %dma_wait3A_1185 = tpu.memref_squeeze %dma_wait3A_1184 : memref<1x!tpu.dma_semaphore, #tpu.memory_space<semaphore_mem>> -> memref<!tpu.dma_semaphore, #tpu.memory_space<semaphore_mem>>
      %dma_wait3A_1186 = arith.constant 0 : i32
      %dma_wait3A_1187 = tpu.memref_slice %arg4[%add3A_1183, %dma_wait3A_1186] : memref<204800x128xf32, #tpu.memory_space<hbm>> -> memref<80x128xf32, #tpu.memory_space<hbm>>
      %dma_wait3A_1188 = arith.constant 0 : i32
      %dma_wait3A_1189 = arith.constant 0 : i32
      %dma_wait3A_1190 = tpu.memref_slice %arg7[%arg1, %select_n3A_1180, %dma_wait3A_1188, %dma_wait3A_1189] : memref<16x4x80x128xf32, #tpu.memory_space<vmem_shared>> -> memref<1x1x80x128xf32, #tpu.memory_space<vmem_shared>>
      %dma_wait3A_1191 = tpu.memref_squeeze %dma_wait3A_1190 : memref<1x1x80x128xf32, #tpu.memory_space<vmem_shared>> -> memref<80x128xf32, #tpu.memory_space<vmem_shared>>
      tpu.wait_dma2 semaphore(%dma_wait3A_1185 : memref<!tpu.dma_semaphore, #tpu.memory_space<semaphore_mem>>) src(%dma_wait3A_1191 : memref<80x128xf32, #tpu.memory_space<vmem_shared>>) dst(%dma_wait3A_1187 : memref<80x128xf32, #tpu.memory_space<hbm>>)
      %sub3A_1192 = arith.constant 1 : i32
      %sub3A_1193 = arith.subi %add3A_1130, %sub3A_1192 : i32
      %jit3A_1194 = arith.constant 4 : i32
      %eq3A_1195 = arith.constant 0 : i32
      %eq3A_1196 = arith.cmpi eq, %jit3A_1194, %eq3A_1195 : i32
      %jit3A_1197 = arith.constant 1 : i32
      %select_n3A_1198 = arith.select %eq3A_1196, %jit3A_1197, %jit3A_1194 : i32
      %rem3A_1199 = arith.remsi %sub3A_1193, %select_n3A_1198 : i32
      %ne3A_1200 = arith.constant 0 : i32
      %ne3A_1201 = arith.cmpi ne, %rem3A_1199, %ne3A_1200 : i32
      %lt3A_1202 = arith.constant 0 : i32
      %lt3A_1203 = arith.cmpi slt, %rem3A_1199, %lt3A_1202 : i32
      %lt3A_1204 = arith.constant 0 : i32
      %lt3A_1205 = arith.cmpi slt, %select_n3A_1198, %lt3A_1204 : i32
      %ne3A_1206 = arith.xori %lt3A_1203, %lt3A_1205 : i1
      %and3A_1207 = arith.andi %ne3A_1206, %ne3A_1201 : i1
      %add3A_1208 = arith.addi %rem3A_1199, %select_n3A_1198 : i32
      %select_n3A_1209 = arith.select %and3A_1207, %add3A_1208, %rem3A_1199 : i32
      %jit3A_1210 = arith.constant 4 : i32
      %eq3A_1211 = arith.constant 0 : i32
      %eq3A_1212 = arith.cmpi eq, %jit3A_1210, %eq3A_1211 : i32
      %jit3A_1213 = arith.constant 1 : i32
      %select_n3A_1214 = arith.select %eq3A_1212, %jit3A_1213, %jit3A_1210 : i32
      %rem3A_1215 = arith.remsi %sub3A_1193, %select_n3A_1214 : i32
      %ne3A_1216 = arith.constant 0 : i32
      %ne3A_1217 = arith.cmpi ne, %rem3A_1215, %ne3A_1216 : i32
      %lt3A_1218 = arith.constant 0 : i32
      %lt3A_1219 = arith.cmpi slt, %rem3A_1215, %lt3A_1218 : i32
      %lt3A_1220 = arith.constant 0 : i32
      %lt3A_1221 = arith.cmpi slt, %select_n3A_1214, %lt3A_1220 : i32
      %ne3A_1222 = arith.xori %lt3A_1219, %lt3A_1221 : i1
      %and3A_1223 = arith.andi %ne3A_1222, %ne3A_1217 : i1
      %add3A_1224 = arith.addi %rem3A_1215, %select_n3A_1214 : i32
      %select_n3A_1225 = arith.select %and3A_1223, %add3A_1224, %rem3A_1215 : i32
      %jit3A_1226 = arith.constant 4 : i32
      %eq3A_1227 = arith.constant 0 : i32
      %eq3A_1228 = arith.cmpi eq, %jit3A_1226, %eq3A_1227 : i32
      %jit3A_1229 = arith.constant 1 : i32
      %select_n3A_1230 = arith.select %eq3A_1228, %jit3A_1229, %jit3A_1226 : i32
      %rem3A_1231 = arith.remsi %sub3A_1193, %select_n3A_1230 : i32
      %ne3A_1232 = arith.constant 0 : i32
      %ne3A_1233 = arith.cmpi ne, %rem3A_1231, %ne3A_1232 : i32
      %lt3A_1234 = arith.constant 0 : i32
      %lt3A_1235 = arith.cmpi slt, %rem3A_1231, %lt3A_1234 : i32
      %lt3A_1236 = arith.constant 0 : i32
      %lt3A_1237 = arith.cmpi slt, %select_n3A_1230, %lt3A_1236 : i32
      %ne3A_1238 = arith.xori %lt3A_1235, %lt3A_1237 : i1
      %and3A_1239 = arith.andi %ne3A_1238, %ne3A_1233 : i1
      %add3A_1240 = arith.addi %rem3A_1231, %select_n3A_1230 : i32
      %select_n3A_1241 = arith.select %and3A_1239, %add3A_1240, %rem3A_1231 : i32
      %dma_start3A_1242 = arith.constant 0 : i32
      %dma_start3A_1243 = arith.constant 0 : i32
      %dma_start3A_1244 = tpu.memref_slice %arg6[%select_n3A_1209, %dma_start3A_1242, %dma_start3A_1243] : memref<4x80x128xf32, #tpu.memory_space<vmem>> -> memref<1x80x128xf32, #tpu.memory_space<vmem>>
      %dma_start3A_1245 = tpu.memref_squeeze %dma_start3A_1244 : memref<1x80x128xf32, #tpu.memory_space<vmem>> -> memref<80x128xf32, #tpu.memory_space<vmem>>
      %dma_start3A_1246 = arith.constant 0 : i32
      %dma_start3A_1247 = arith.constant 0 : i32
      %dma_start3A_1248 = tpu.memref_slice %arg7[%arg1, %select_n3A_1225, %dma_start3A_1246, %dma_start3A_1247] : memref<16x4x80x128xf32, #tpu.memory_space<vmem_shared>> -> memref<1x1x80x128xf32, #tpu.memory_space<vmem_shared>>
      %dma_start3A_1249 = tpu.memref_squeeze %dma_start3A_1248 : memref<1x1x80x128xf32, #tpu.memory_space<vmem_shared>> -> memref<80x128xf32, #tpu.memory_space<vmem_shared>>
      %dma_start3A_1250 = tpu.memref_slice %arg9[%select_n3A_1241] : memref<4x!tpu.dma_semaphore, #tpu.memory_space<semaphore_mem>> -> memref<1x!tpu.dma_semaphore, #tpu.memory_space<semaphore_mem>>
      %dma_start3A_1251 = tpu.memref_squeeze %dma_start3A_1250 : memref<1x!tpu.dma_semaphore, #tpu.memory_space<semaphore_mem>> -> memref<!tpu.dma_semaphore, #tpu.memory_space<semaphore_mem>>
      %dma_start3A_1252 = arith.constant 0 : i32
      %dma_start3A_1253 = arith.constant 0 : i32
      %dma_start3A_1254 = tpu.memref_slice %arg7[%arg1, %select_n3A_1225, %dma_start3A_1252, %dma_start3A_1253] : memref<16x4x80x128xf32, #tpu.memory_space<vmem_shared>> -> memref<1x1x80x128xf32, #tpu.memory_space<vmem_shared>>
      %dma_start3A_1255 = tpu.memref_squeeze %dma_start3A_1254 : memref<1x1x80x128xf32, #tpu.memory_space<vmem_shared>> -> memref<80x128xf32, #tpu.memory_space<vmem_shared>>
      %dma_start3A_1256 = arith.constant 0 : i32
      %dma_start3A_1257 = arith.constant 0 : i32
      %dma_start3A_1258 = tpu.memref_slice %arg6[%select_n3A_1209, %dma_start3A_1256, %dma_start3A_1257] : memref<4x80x128xf32, #tpu.memory_space<vmem>> -> memref<1x80x128xf32, #tpu.memory_space<vmem>>
      %dma_start3A_1259 = tpu.memref_squeeze %dma_start3A_1258 : memref<1x80x128xf32, #tpu.memory_space<vmem>> -> memref<80x128xf32, #tpu.memory_space<vmem>>
      tpu.enqueue_dma source(%dma_start3A_1259 : memref<80x128xf32, #tpu.memory_space<vmem>>) target(%dma_start3A_1255 : memref<80x128xf32, #tpu.memory_space<vmem_shared>>) target_semaphore(%dma_start3A_1251 : memref<!tpu.dma_semaphore, #tpu.memory_space<semaphore_mem>>)
      %sub3A_1260 = arith.constant 2 : i32
      %sub3A_1261 = arith.subi %add3A_1130, %sub3A_1260 : i32
      %jit3A_1262 = arith.constant 4 : i32
      %eq3A_1263 = arith.constant 0 : i32
      %eq3A_1264 = arith.cmpi eq, %jit3A_1262, %eq3A_1263 : i32
      %jit3A_1265 = arith.constant 1 : i32
      %select_n3A_1266 = arith.select %eq3A_1264, %jit3A_1265, %jit3A_1262 : i32
      %rem3A_1267 = arith.remsi %sub3A_1261, %select_n3A_1266 : i32
      %ne3A_1268 = arith.constant 0 : i32
      %ne3A_1269 = arith.cmpi ne, %rem3A_1267, %ne3A_1268 : i32
      %lt3A_1270 = arith.constant 0 : i32
      %lt3A_1271 = arith.cmpi slt, %rem3A_1267, %lt3A_1270 : i32
      %lt3A_1272 = arith.constant 0 : i32
      %lt3A_1273 = arith.cmpi slt, %select_n3A_1266, %lt3A_1272 : i32
      %ne3A_1274 = arith.xori %lt3A_1271, %lt3A_1273 : i1
      %and3A_1275 = arith.andi %ne3A_1274, %ne3A_1269 : i1
      %add3A_1276 = arith.addi %rem3A_1267, %select_n3A_1266 : i32
      %select_n3A_1277 = arith.select %and3A_1275, %add3A_1276, %rem3A_1267 : i32
      %jit3A_1278 = arith.constant 4 : i32
      %eq3A_1279 = arith.constant 0 : i32
      %eq3A_1280 = arith.cmpi eq, %jit3A_1278, %eq3A_1279 : i32
      %jit3A_1281 = arith.constant 1 : i32
      %select_n3A_1282 = arith.select %eq3A_1280, %jit3A_1281, %jit3A_1278 : i32
      %rem3A_1283 = arith.remsi %sub3A_1261, %select_n3A_1282 : i32
      %ne3A_1284 = arith.constant 0 : i32
      %ne3A_1285 = arith.cmpi ne, %rem3A_1283, %ne3A_1284 : i32
      %lt3A_1286 = arith.constant 0 : i32
      %lt3A_1287 = arith.cmpi slt, %rem3A_1283, %lt3A_1286 : i32
      %lt3A_1288 = arith.constant 0 : i32
      %lt3A_1289 = arith.cmpi slt, %select_n3A_1282, %lt3A_1288 : i32
      %ne3A_1290 = arith.xori %lt3A_1287, %lt3A_1289 : i1
      %and3A_1291 = arith.andi %ne3A_1290, %ne3A_1285 : i1
      %add3A_1292 = arith.addi %rem3A_1283, %select_n3A_1282 : i32
      %select_n3A_1293 = arith.select %and3A_1291, %add3A_1292, %rem3A_1283 : i32
      %dma_wait3A_1294 = arith.constant 0 : i32
      %dma_wait3A_1295 = arith.constant 0 : i32
      %dma_wait3A_1296 = tpu.memref_slice %arg6[%select_n3A_1293, %dma_wait3A_1294, %dma_wait3A_1295] : memref<4x80x128xf32, #tpu.memory_space<vmem>> -> memref<1x80x128xf32, #tpu.memory_space<vmem>>
      %dma_wait3A_1297 = tpu.memref_squeeze %dma_wait3A_1296 : memref<1x80x128xf32, #tpu.memory_space<vmem>> -> memref<80x128xf32, #tpu.memory_space<vmem>>
      %dma_wait3A_1298 = arith.constant 0 : i32
      %dma_wait3A_1299 = arith.constant 0 : i32
      %dma_wait3A_1300 = tpu.memref_slice %arg7[%arg1, %select_n3A_1277, %dma_wait3A_1298, %dma_wait3A_1299] : memref<16x4x80x128xf32, #tpu.memory_space<vmem_shared>> -> memref<1x1x80x128xf32, #tpu.memory_space<vmem_shared>>
      %dma_wait3A_1301 = tpu.memref_squeeze %dma_wait3A_1300 : memref<1x1x80x128xf32, #tpu.memory_space<vmem_shared>> -> memref<80x128xf32, #tpu.memory_space<vmem_shared>>
      %dma_wait3A_1302 = tpu.memref_slice %arg9[%select_n3A_1277] : memref<4x!tpu.dma_semaphore, #tpu.memory_space<semaphore_mem>> -> memref<1x!tpu.dma_semaphore, #tpu.memory_space<semaphore_mem>>
      %dma_wait3A_1303 = tpu.memref_squeeze %dma_wait3A_1302 : memref<1x!tpu.dma_semaphore, #tpu.memory_space<semaphore_mem>> -> memref<!tpu.dma_semaphore, #tpu.memory_space<semaphore_mem>>
      %dma_wait3A_1304 = arith.constant 0 : i32
      %dma_wait3A_1305 = arith.constant 0 : i32
      %dma_wait3A_1306 = tpu.memref_slice %arg7[%arg1, %select_n3A_1277, %dma_wait3A_1304, %dma_wait3A_1305] : memref<16x4x80x128xf32, #tpu.memory_space<vmem_shared>> -> memref<1x1x80x128xf32, #tpu.memory_space<vmem_shared>>
      %dma_wait3A_1307 = tpu.memref_squeeze %dma_wait3A_1306 : memref<1x1x80x128xf32, #tpu.memory_space<vmem_shared>> -> memref<80x128xf32, #tpu.memory_space<vmem_shared>>
      %dma_wait3A_1308 = arith.constant 0 : i32
      %dma_wait3A_1309 = arith.constant 0 : i32
      %dma_wait3A_1310 = tpu.memref_slice %arg6[%select_n3A_1293, %dma_wait3A_1308, %dma_wait3A_1309] : memref<4x80x128xf32, #tpu.memory_space<vmem>> -> memref<1x80x128xf32, #tpu.memory_space<vmem>>
      %dma_wait3A_1311 = tpu.memref_squeeze %dma_wait3A_1310 : memref<1x80x128xf32, #tpu.memory_space<vmem>> -> memref<80x128xf32, #tpu.memory_space<vmem>>
      tpu.wait_dma2 semaphore(%dma_wait3A_1303 : memref<!tpu.dma_semaphore, #tpu.memory_space<semaphore_mem>>) src(%dma_wait3A_1311 : memref<80x128xf32, #tpu.memory_space<vmem>>) dst(%dma_wait3A_1307 : memref<80x128xf32, #tpu.memory_space<vmem_shared>>)
      %mul3A_1312 = arith.constant 80 : i32
      %mul3A_1313 = arith.muli %sub3A_1261, %mul3A_1312 : i32
      %add3A_1314 = arith.addi %mul3A_2, %mul3A_1313 : i32
      %dma_start3A_1315 = tpu.memref_slice %arg10[%select_n3A_1277] : memref<4x!tpu.dma_semaphore, #tpu.memory_space<semaphore_mem>> -> memref<1x!tpu.dma_semaphore, #tpu.memory_space<semaphore_mem>>
      %dma_start3A_1316 = tpu.memref_squeeze %dma_start3A_1315 : memref<1x!tpu.dma_semaphore, #tpu.memory_space<semaphore_mem>> -> memref<!tpu.dma_semaphore, #tpu.memory_space<semaphore_mem>>
      %dma_start3A_1317 = arith.constant 0 : i32
      %dma_start3A_1318 = tpu.memref_slice %arg4[%add3A_1314, %dma_start3A_1317] : memref<204800x128xf32, #tpu.memory_space<hbm>> -> memref<80x128xf32, #tpu.memory_space<hbm>>
      %dma_start3A_1319 = arith.constant 0 : i32
      %dma_start3A_1320 = arith.constant 0 : i32
      %dma_start3A_1321 = tpu.memref_slice %arg7[%arg1, %select_n3A_1277, %dma_start3A_1319, %dma_start3A_1320] : memref<16x4x80x128xf32, #tpu.memory_space<vmem_shared>> -> memref<1x1x80x128xf32, #tpu.memory_space<vmem_shared>>
      %dma_start3A_1322 = tpu.memref_squeeze %dma_start3A_1321 : memref<1x1x80x128xf32, #tpu.memory_space<vmem_shared>> -> memref<80x128xf32, #tpu.memory_space<vmem_shared>>
      tpu.enqueue_dma source(%dma_start3A_1322 : memref<80x128xf32, #tpu.memory_space<vmem_shared>>) target(%dma_start3A_1318 : memref<80x128xf32, #tpu.memory_space<hbm>>) target_semaphore(%dma_start3A_1316 : memref<!tpu.dma_semaphore, #tpu.memory_space<semaphore_mem>>)
      %mul3A_1323 = arith.constant 4 : i32
      %mul3A_1324 = arith.muli %scan3A_742, %mul3A_1323 : i32
      %add3A_1325 = arith.constant 3 : i32
      %add3A_1326 = arith.addi %mul3A_1324, %add3A_1325 : i32
      %mul3A_1327 = arith.constant 80 : i32
      %mul3A_1328 = arith.muli %add3A_1326, %mul3A_1327 : i32
      %dma_start3A_1329 = arith.constant 3 : i32
      %dma_start3A_1330 = arith.constant 3 : i32
      %dma_start3A_1331 = arith.constant 0 : i32
      %dma_start3A_1332 = arith.constant 0 : i32
      %dma_start3A_1333 = tpu.memref_slice %arg6[%dma_start3A_1329, %dma_start3A_1331, %dma_start3A_1332] : memref<4x80x128xf32, #tpu.memory_space<vmem>> -> memref<1x80x128xf32, #tpu.memory_space<vmem>>
      %dma_start3A_1334 = tpu.memref_squeeze %dma_start3A_1333 : memref<1x80x128xf32, #tpu.memory_space<vmem>> -> memref<80x128xf32, #tpu.memory_space<vmem>>
      %dma_start3A_1335 = tpu.memref_slice %arg5[%mul3A_1328] : memref<6400xi32, #tpu.memory_space<vmem>> -> memref<80xi32, #tpu.memory_space<vmem>>
      %dma_start3A_1336 = arith.constant 0 : i32
      %dma_start3A_1337 = arith.constant 0 : i32
      %dma_start3A_1338 = tpu.memref_slice %arg3[%dma_start3A_1336, %dma_start3A_1337] : memref<100000x128xf32, #tpu.memory_space<hbm>> -> memref<100000x128xf32, #tpu.memory_space<hbm>>
      %dma_start3A_1339 = tpu.memref_slice %arg8[%dma_start3A_1330] : memref<4x!tpu.dma_semaphore, #tpu.memory_space<semaphore_mem>> -> memref<1x!tpu.dma_semaphore, #tpu.memory_space<semaphore_mem>>
      %dma_start3A_1340 = tpu.memref_squeeze %dma_start3A_1339 : memref<1x!tpu.dma_semaphore, #tpu.memory_space<semaphore_mem>> -> memref<!tpu.dma_semaphore, #tpu.memory_space<semaphore_mem>>
      tpu.enqueue_indirect_dma source(%dma_start3A_1338 : memref<100000x128xf32, #tpu.memory_space<hbm>>) target(%dma_start3A_1334 : memref<80x128xf32, #tpu.memory_space<vmem>>) offsets(%dma_start3A_1335 : memref<80xi32, #tpu.memory_space<vmem>>) semaphore(%dma_start3A_1340 : memref<!tpu.dma_semaphore, #tpu.memory_space<semaphore_mem>>)
      %sub3A_1341 = arith.constant 1 : i32
      %sub3A_1342 = arith.subi %add3A_1326, %sub3A_1341 : i32
      %mul3A_1343 = arith.constant 80 : i32
      %mul3A_1344 = arith.muli %sub3A_1342, %mul3A_1343 : i32
      %dma_wait3A_1345 = arith.constant 2 : i32
      %dma_wait3A_1346 = arith.constant 2 : i32
      %dma_wait3A_1347 = arith.constant 0 : i32
      %dma_wait3A_1348 = arith.constant 0 : i32
      %dma_wait3A_1349 = tpu.memref_slice %arg6[%dma_wait3A_1345, %dma_wait3A_1347, %dma_wait3A_1348] : memref<4x80x128xf32, #tpu.memory_space<vmem>> -> memref<1x80x128xf32, #tpu.memory_space<vmem>>
      %dma_wait3A_1350 = tpu.memref_squeeze %dma_wait3A_1349 : memref<1x80x128xf32, #tpu.memory_space<vmem>> -> memref<80x128xf32, #tpu.memory_space<vmem>>
      %dma_wait3A_1351 = tpu.memref_slice %arg5[%mul3A_1344] : memref<6400xi32, #tpu.memory_space<vmem>> -> memref<80xi32, #tpu.memory_space<vmem>>
      %dma_wait3A_1352 = arith.constant 0 : i32
      %dma_wait3A_1353 = arith.constant 0 : i32
      %dma_wait3A_1354 = tpu.memref_slice %arg3[%dma_wait3A_1352, %dma_wait3A_1353] : memref<100000x128xf32, #tpu.memory_space<hbm>> -> memref<100000x128xf32, #tpu.memory_space<hbm>>
      %dma_wait3A_1355 = tpu.memref_slice %arg8[%dma_wait3A_1346] : memref<4x!tpu.dma_semaphore, #tpu.memory_space<semaphore_mem>> -> memref<1x!tpu.dma_semaphore, #tpu.memory_space<semaphore_mem>>
      %dma_wait3A_1356 = tpu.memref_squeeze %dma_wait3A_1355 : memref<1x!tpu.dma_semaphore, #tpu.memory_space<semaphore_mem>> -> memref<!tpu.dma_semaphore, #tpu.memory_space<semaphore_mem>>
      tpu.wait_indirect_dma semaphore(%dma_wait3A_1356 : memref<!tpu.dma_semaphore, #tpu.memory_space<semaphore_mem>>) src(%dma_wait3A_1354 : memref<100000x128xf32, #tpu.memory_space<hbm>>) dst(%dma_wait3A_1350 : memref<80x128xf32, #tpu.memory_space<vmem>>)
      %sub3A_1357 = arith.constant 1 : i32
      %sub3A_1358 = arith.subi %add3A_1326, %sub3A_1357 : i32
      %sub3A_1359 = arith.constant 4 : i32
      %sub3A_1360 = arith.subi %sub3A_1358, %sub3A_1359 : i32
      %jit3A_1361 = arith.constant 4 : i32
      %eq3A_1362 = arith.constant 0 : i32
      %eq3A_1363 = arith.cmpi eq, %jit3A_1361, %eq3A_1362 : i32
      %jit3A_1364 = arith.constant 1 : i32
      %select_n3A_1365 = arith.select %eq3A_1363, %jit3A_1364, %jit3A_1361 : i32
      %rem3A_1366 = arith.remsi %sub3A_1360, %select_n3A_1365 : i32
      %ne3A_1367 = arith.constant 0 : i32
      %ne3A_1368 = arith.cmpi ne, %rem3A_1366, %ne3A_1367 : i32
      %lt3A_1369 = arith.constant 0 : i32
      %lt3A_1370 = arith.cmpi slt, %rem3A_1366, %lt3A_1369 : i32
      %lt3A_1371 = arith.constant 0 : i32
      %lt3A_1372 = arith.cmpi slt, %select_n3A_1365, %lt3A_1371 : i32
      %ne3A_1373 = arith.xori %lt3A_1370, %lt3A_1372 : i1
      %and3A_1374 = arith.andi %ne3A_1373, %ne3A_1368 : i1
      %add3A_1375 = arith.addi %rem3A_1366, %select_n3A_1365 : i32
      %select_n3A_1376 = arith.select %and3A_1374, %add3A_1375, %rem3A_1366 : i32
      %mul3A_1377 = arith.constant 80 : i32
      %mul3A_1378 = arith.muli %sub3A_1360, %mul3A_1377 : i32
      %add3A_1379 = arith.addi %mul3A_2, %mul3A_1378 : i32
      %dma_wait3A_1380 = tpu.memref_slice %arg10[%select_n3A_1376] : memref<4x!tpu.dma_semaphore, #tpu.memory_space<semaphore_mem>> -> memref<1x!tpu.dma_semaphore, #tpu.memory_space<semaphore_mem>>
      %dma_wait3A_1381 = tpu.memref_squeeze %dma_wait3A_1380 : memref<1x!tpu.dma_semaphore, #tpu.memory_space<semaphore_mem>> -> memref<!tpu.dma_semaphore, #tpu.memory_space<semaphore_mem>>
      %dma_wait3A_1382 = arith.constant 0 : i32
      %dma_wait3A_1383 = tpu.memref_slice %arg4[%add3A_1379, %dma_wait3A_1382] : memref<204800x128xf32, #tpu.memory_space<hbm>> -> memref<80x128xf32, #tpu.memory_space<hbm>>
      %dma_wait3A_1384 = arith.constant 0 : i32
      %dma_wait3A_1385 = arith.constant 0 : i32
      %dma_wait3A_1386 = tpu.memref_slice %arg7[%arg1, %select_n3A_1376, %dma_wait3A_1384, %dma_wait3A_1385] : memref<16x4x80x128xf32, #tpu.memory_space<vmem_shared>> -> memref<1x1x80x128xf32, #tpu.memory_space<vmem_shared>>
      %dma_wait3A_1387 = tpu.memref_squeeze %dma_wait3A_1386 : memref<1x1x80x128xf32, #tpu.memory_space<vmem_shared>> -> memref<80x128xf32, #tpu.memory_space<vmem_shared>>
      tpu.wait_dma2 semaphore(%dma_wait3A_1381 : memref<!tpu.dma_semaphore, #tpu.memory_space<semaphore_mem>>) src(%dma_wait3A_1387 : memref<80x128xf32, #tpu.memory_space<vmem_shared>>) dst(%dma_wait3A_1383 : memref<80x128xf32, #tpu.memory_space<hbm>>)
      %sub3A_1388 = arith.constant 1 : i32
      %sub3A_1389 = arith.subi %add3A_1326, %sub3A_1388 : i32
      %jit3A_1390 = arith.constant 4 : i32
      %eq3A_1391 = arith.constant 0 : i32
      %eq3A_1392 = arith.cmpi eq, %jit3A_1390, %eq3A_1391 : i32
      %jit3A_1393 = arith.constant 1 : i32
      %select_n3A_1394 = arith.select %eq3A_1392, %jit3A_1393, %jit3A_1390 : i32
      %rem3A_1395 = arith.remsi %sub3A_1389, %select_n3A_1394 : i32
      %ne3A_1396 = arith.constant 0 : i32
      %ne3A_1397 = arith.cmpi ne, %rem3A_1395, %ne3A_1396 : i32
      %lt3A_1398 = arith.constant 0 : i32
      %lt3A_1399 = arith.cmpi slt, %rem3A_1395, %lt3A_1398 : i32
      %lt3A_1400 = arith.constant 0 : i32
      %lt3A_1401 = arith.cmpi slt, %select_n3A_1394, %lt3A_1400 : i32
      %ne3A_1402 = arith.xori %lt3A_1399, %lt3A_1401 : i1
      %and3A_1403 = arith.andi %ne3A_1402, %ne3A_1397 : i1
      %add3A_1404 = arith.addi %rem3A_1395, %select_n3A_1394 : i32
      %select_n3A_1405 = arith.select %and3A_1403, %add3A_1404, %rem3A_1395 : i32
      %jit3A_1406 = arith.constant 4 : i32
      %eq3A_1407 = arith.constant 0 : i32
      %eq3A_1408 = arith.cmpi eq, %jit3A_1406, %eq3A_1407 : i32
      %jit3A_1409 = arith.constant 1 : i32
      %select_n3A_1410 = arith.select %eq3A_1408, %jit3A_1409, %jit3A_1406 : i32
      %rem3A_1411 = arith.remsi %sub3A_1389, %select_n3A_1410 : i32
      %ne3A_1412 = arith.constant 0 : i32
      %ne3A_1413 = arith.cmpi ne, %rem3A_1411, %ne3A_1412 : i32
      %lt3A_1414 = arith.constant 0 : i32
      %lt3A_1415 = arith.cmpi slt, %rem3A_1411, %lt3A_1414 : i32
      %lt3A_1416 = arith.constant 0 : i32
      %lt3A_1417 = arith.cmpi slt, %select_n3A_1410, %lt3A_1416 : i32
      %ne3A_1418 = arith.xori %lt3A_1415, %lt3A_1417 : i1
      %and3A_1419 = arith.andi %ne3A_1418, %ne3A_1413 : i1
      %add3A_1420 = arith.addi %rem3A_1411, %select_n3A_1410 : i32
      %select_n3A_1421 = arith.select %and3A_1419, %add3A_1420, %rem3A_1411 : i32
      %jit3A_1422 = arith.constant 4 : i32
      %eq3A_1423 = arith.constant 0 : i32
      %eq3A_1424 = arith.cmpi eq, %jit3A_1422, %eq3A_1423 : i32
      %jit3A_1425 = arith.constant 1 : i32
      %select_n3A_1426 = arith.select %eq3A_1424, %jit3A_1425, %jit3A_1422 : i32
      %rem3A_1427 = arith.remsi %sub3A_1389, %select_n3A_1426 : i32
      %ne3A_1428 = arith.constant 0 : i32
      %ne3A_1429 = arith.cmpi ne, %rem3A_1427, %ne3A_1428 : i32
      %lt3A_1430 = arith.constant 0 : i32
      %lt3A_1431 = arith.cmpi slt, %rem3A_1427, %lt3A_1430 : i32
      %lt3A_1432 = arith.constant 0 : i32
      %lt3A_1433 = arith.cmpi slt, %select_n3A_1426, %lt3A_1432 : i32
      %ne3A_1434 = arith.xori %lt3A_1431, %lt3A_1433 : i1
      %and3A_1435 = arith.andi %ne3A_1434, %ne3A_1429 : i1
      %add3A_1436 = arith.addi %rem3A_1427, %select_n3A_1426 : i32
      %select_n3A_1437 = arith.select %and3A_1435, %add3A_1436, %rem3A_1427 : i32
      %dma_start3A_1438 = arith.constant 0 : i32
      %dma_start3A_1439 = arith.constant 0 : i32
      %dma_start3A_1440 = tpu.memref_slice %arg6[%select_n3A_1405, %dma_start3A_1438, %dma_start3A_1439] : memref<4x80x128xf32, #tpu.memory_space<vmem>> -> memref<1x80x128xf32, #tpu.memory_space<vmem>>
      %dma_start3A_1441 = tpu.memref_squeeze %dma_start3A_1440 : memref<1x80x128xf32, #tpu.memory_space<vmem>> -> memref<80x128xf32, #tpu.memory_space<vmem>>
      %dma_start3A_1442 = arith.constant 0 : i32
      %dma_start3A_1443 = arith.constant 0 : i32
      %dma_start3A_1444 = tpu.memref_slice %arg7[%arg1, %select_n3A_1421, %dma_start3A_1442, %dma_start3A_1443] : memref<16x4x80x128xf32, #tpu.memory_space<vmem_shared>> -> memref<1x1x80x128xf32, #tpu.memory_space<vmem_shared>>
      %dma_start3A_1445 = tpu.memref_squeeze %dma_start3A_1444 : memref<1x1x80x128xf32, #tpu.memory_space<vmem_shared>> -> memref<80x128xf32, #tpu.memory_space<vmem_shared>>
      %dma_start3A_1446 = tpu.memref_slice %arg9[%select_n3A_1437] : memref<4x!tpu.dma_semaphore, #tpu.memory_space<semaphore_mem>> -> memref<1x!tpu.dma_semaphore, #tpu.memory_space<semaphore_mem>>
      %dma_start3A_1447 = tpu.memref_squeeze %dma_start3A_1446 : memref<1x!tpu.dma_semaphore, #tpu.memory_space<semaphore_mem>> -> memref<!tpu.dma_semaphore, #tpu.memory_space<semaphore_mem>>
      %dma_start3A_1448 = arith.constant 0 : i32
      %dma_start3A_1449 = arith.constant 0 : i32
      %dma_start3A_1450 = tpu.memref_slice %arg7[%arg1, %select_n3A_1421, %dma_start3A_1448, %dma_start3A_1449] : memref<16x4x80x128xf32, #tpu.memory_space<vmem_shared>> -> memref<1x1x80x128xf32, #tpu.memory_space<vmem_shared>>
      %dma_start3A_1451 = tpu.memref_squeeze %dma_start3A_1450 : memref<1x1x80x128xf32, #tpu.memory_space<vmem_shared>> -> memref<80x128xf32, #tpu.memory_space<vmem_shared>>
      %dma_start3A_1452 = arith.constant 0 : i32
      %dma_start3A_1453 = arith.constant 0 : i32
      %dma_start3A_1454 = tpu.memref_slice %arg6[%select_n3A_1405, %dma_start3A_1452, %dma_start3A_1453] : memref<4x80x128xf32, #tpu.memory_space<vmem>> -> memref<1x80x128xf32, #tpu.memory_space<vmem>>
      %dma_start3A_1455 = tpu.memref_squeeze %dma_start3A_1454 : memref<1x80x128xf32, #tpu.memory_space<vmem>> -> memref<80x128xf32, #tpu.memory_space<vmem>>
      tpu.enqueue_dma source(%dma_start3A_1455 : memref<80x128xf32, #tpu.memory_space<vmem>>) target(%dma_start3A_1451 : memref<80x128xf32, #tpu.memory_space<vmem_shared>>) target_semaphore(%dma_start3A_1447 : memref<!tpu.dma_semaphore, #tpu.memory_space<semaphore_mem>>)
      %sub3A_1456 = arith.constant 2 : i32
      %sub3A_1457 = arith.subi %add3A_1326, %sub3A_1456 : i32
      %jit3A_1458 = arith.constant 4 : i32
      %eq3A_1459 = arith.constant 0 : i32
      %eq3A_1460 = arith.cmpi eq, %jit3A_1458, %eq3A_1459 : i32
      %jit3A_1461 = arith.constant 1 : i32
      %select_n3A_1462 = arith.select %eq3A_1460, %jit3A_1461, %jit3A_1458 : i32
      %rem3A_1463 = arith.remsi %sub3A_1457, %select_n3A_1462 : i32
      %ne3A_1464 = arith.constant 0 : i32
      %ne3A_1465 = arith.cmpi ne, %rem3A_1463, %ne3A_1464 : i32
      %lt3A_1466 = arith.constant 0 : i32
      %lt3A_1467 = arith.cmpi slt, %rem3A_1463, %lt3A_1466 : i32
      %lt3A_1468 = arith.constant 0 : i32
      %lt3A_1469 = arith.cmpi slt, %select_n3A_1462, %lt3A_1468 : i32
      %ne3A_1470 = arith.xori %lt3A_1467, %lt3A_1469 : i1
      %and3A_1471 = arith.andi %ne3A_1470, %ne3A_1465 : i1
      %add3A_1472 = arith.addi %rem3A_1463, %select_n3A_1462 : i32
      %select_n3A_1473 = arith.select %and3A_1471, %add3A_1472, %rem3A_1463 : i32
      %jit3A_1474 = arith.constant 4 : i32
      %eq3A_1475 = arith.constant 0 : i32
      %eq3A_1476 = arith.cmpi eq, %jit3A_1474, %eq3A_1475 : i32
      %jit3A_1477 = arith.constant 1 : i32
      %select_n3A_1478 = arith.select %eq3A_1476, %jit3A_1477, %jit3A_1474 : i32
      %rem3A_1479 = arith.remsi %sub3A_1457, %select_n3A_1478 : i32
      %ne3A_1480 = arith.constant 0 : i32
      %ne3A_1481 = arith.cmpi ne, %rem3A_1479, %ne3A_1480 : i32
      %lt3A_1482 = arith.constant 0 : i32
      %lt3A_1483 = arith.cmpi slt, %rem3A_1479, %lt3A_1482 : i32
      %lt3A_1484 = arith.constant 0 : i32
      %lt3A_1485 = arith.cmpi slt, %select_n3A_1478, %lt3A_1484 : i32
      %ne3A_1486 = arith.xori %lt3A_1483, %lt3A_1485 : i1
      %and3A_1487 = arith.andi %ne3A_1486, %ne3A_1481 : i1
      %add3A_1488 = arith.addi %rem3A_1479, %select_n3A_1478 : i32
      %select_n3A_1489 = arith.select %and3A_1487, %add3A_1488, %rem3A_1479 : i32
      %dma_wait3A_1490 = arith.constant 0 : i32
      %dma_wait3A_1491 = arith.constant 0 : i32
      %dma_wait3A_1492 = tpu.memref_slice %arg6[%select_n3A_1489, %dma_wait3A_1490, %dma_wait3A_1491] : memref<4x80x128xf32, #tpu.memory_space<vmem>> -> memref<1x80x128xf32, #tpu.memory_space<vmem>>
      %dma_wait3A_1493 = tpu.memref_squeeze %dma_wait3A_1492 : memref<1x80x128xf32, #tpu.memory_space<vmem>> -> memref<80x128xf32, #tpu.memory_space<vmem>>
      %dma_wait3A_1494 = arith.constant 0 : i32
      %dma_wait3A_1495 = arith.constant 0 : i32
      %dma_wait3A_1496 = tpu.memref_slice %arg7[%arg1, %select_n3A_1473, %dma_wait3A_1494, %dma_wait3A_1495] : memref<16x4x80x128xf32, #tpu.memory_space<vmem_shared>> -> memref<1x1x80x128xf32, #tpu.memory_space<vmem_shared>>
      %dma_wait3A_1497 = tpu.memref_squeeze %dma_wait3A_1496 : memref<1x1x80x128xf32, #tpu.memory_space<vmem_shared>> -> memref<80x128xf32, #tpu.memory_space<vmem_shared>>
      %dma_wait3A_1498 = tpu.memref_slice %arg9[%select_n3A_1473] : memref<4x!tpu.dma_semaphore, #tpu.memory_space<semaphore_mem>> -> memref<1x!tpu.dma_semaphore, #tpu.memory_space<semaphore_mem>>
      %dma_wait3A_1499 = tpu.memref_squeeze %dma_wait3A_1498 : memref<1x!tpu.dma_semaphore, #tpu.memory_space<semaphore_mem>> -> memref<!tpu.dma_semaphore, #tpu.memory_space<semaphore_mem>>
      %dma_wait3A_1500 = arith.constant 0 : i32
      %dma_wait3A_1501 = arith.constant 0 : i32
      %dma_wait3A_1502 = tpu.memref_slice %arg7[%arg1, %select_n3A_1473, %dma_wait3A_1500, %dma_wait3A_1501] : memref<16x4x80x128xf32, #tpu.memory_space<vmem_shared>> -> memref<1x1x80x128xf32, #tpu.memory_space<vmem_shared>>
      %dma_wait3A_1503 = tpu.memref_squeeze %dma_wait3A_1502 : memref<1x1x80x128xf32, #tpu.memory_space<vmem_shared>> -> memref<80x128xf32, #tpu.memory_space<vmem_shared>>
      %dma_wait3A_1504 = arith.constant 0 : i32
      %dma_wait3A_1505 = arith.constant 0 : i32
      %dma_wait3A_1506 = tpu.memref_slice %arg6[%select_n3A_1489, %dma_wait3A_1504, %dma_wait3A_1505] : memref<4x80x128xf32, #tpu.memory_space<vmem>> -> memref<1x80x128xf32, #tpu.memory_space<vmem>>
      %dma_wait3A_1507 = tpu.memref_squeeze %dma_wait3A_1506 : memref<1x80x128xf32, #tpu.memory_space<vmem>> -> memref<80x128xf32, #tpu.memory_space<vmem>>
      tpu.wait_dma2 semaphore(%dma_wait3A_1499 : memref<!tpu.dma_semaphore, #tpu.memory_space<semaphore_mem>>) src(%dma_wait3A_1507 : memref<80x128xf32, #tpu.memory_space<vmem>>) dst(%dma_wait3A_1503 : memref<80x128xf32, #tpu.memory_space<vmem_shared>>)
      %mul3A_1508 = arith.constant 80 : i32
      %mul3A_1509 = arith.muli %sub3A_1457, %mul3A_1508 : i32
      %add3A_1510 = arith.addi %mul3A_2, %mul3A_1509 : i32
      %dma_start3A_1511 = tpu.memref_slice %arg10[%select_n3A_1473] : memref<4x!tpu.dma_semaphore, #tpu.memory_space<semaphore_mem>> -> memref<1x!tpu.dma_semaphore, #tpu.memory_space<semaphore_mem>>
      %dma_start3A_1512 = tpu.memref_squeeze %dma_start3A_1511 : memref<1x!tpu.dma_semaphore, #tpu.memory_space<semaphore_mem>> -> memref<!tpu.dma_semaphore, #tpu.memory_space<semaphore_mem>>
      %dma_start3A_1513 = arith.constant 0 : i32
      %dma_start3A_1514 = tpu.memref_slice %arg4[%add3A_1510, %dma_start3A_1513] : memref<204800x128xf32, #tpu.memory_space<hbm>> -> memref<80x128xf32, #tpu.memory_space<hbm>>
      %dma_start3A_1515 = arith.constant 0 : i32
      %dma_start3A_1516 = arith.constant 0 : i32
      %dma_start3A_1517 = tpu.memref_slice %arg7[%arg1, %select_n3A_1473, %dma_start3A_1515, %dma_start3A_1516] : memref<16x4x80x128xf32, #tpu.memory_space<vmem_shared>> -> memref<1x1x80x128xf32, #tpu.memory_space<vmem_shared>>
      %dma_start3A_1518 = tpu.memref_squeeze %dma_start3A_1517 : memref<1x1x80x128xf32, #tpu.memory_space<vmem_shared>> -> memref<80x128xf32, #tpu.memory_space<vmem_shared>>
      tpu.enqueue_dma source(%dma_start3A_1518 : memref<80x128xf32, #tpu.memory_space<vmem_shared>>) target(%dma_start3A_1514 : memref<80x128xf32, #tpu.memory_space<hbm>>) target_semaphore(%dma_start3A_1512 : memref<!tpu.dma_semaphore, #tpu.memory_space<semaphore_mem>>)
    }
    %scan3A_581 = arith.constant 18 : i32
    %dma_wait3A_582 = arith.constant 3 : i32
    %dma_wait3A_583 = arith.constant 3 : i32
    %dma_wait3A_584 = arith.constant 0 : i32
    %dma_wait3A_585 = arith.constant 0 : i32
    %dma_wait3A_586 = tpu.memref_slice %arg6[%dma_wait3A_582, %dma_wait3A_584, %dma_wait3A_585] : memref<4x80x128xf32, #tpu.memory_space<vmem>> -> memref<1x80x128xf32, #tpu.memory_space<vmem>>
    %dma_wait3A_587 = tpu.memref_squeeze %dma_wait3A_586 : memref<1x80x128xf32, #tpu.memory_space<vmem>> -> memref<80x128xf32, #tpu.memory_space<vmem>>
    %dma_wait3A_588 = arith.constant 6320 : i32
    %dma_wait3A_589 = tpu.memref_slice %arg5[%dma_wait3A_588] : memref<6400xi32, #tpu.memory_space<vmem>> -> memref<80xi32, #tpu.memory_space<vmem>>
    %dma_wait3A_590 = arith.constant 0 : i32
    %dma_wait3A_591 = arith.constant 0 : i32
    %dma_wait3A_592 = tpu.memref_slice %arg3[%dma_wait3A_590, %dma_wait3A_591] : memref<100000x128xf32, #tpu.memory_space<hbm>> -> memref<100000x128xf32, #tpu.memory_space<hbm>>
    %dma_wait3A_593 = tpu.memref_slice %arg8[%dma_wait3A_583] : memref<4x!tpu.dma_semaphore, #tpu.memory_space<semaphore_mem>> -> memref<1x!tpu.dma_semaphore, #tpu.memory_space<semaphore_mem>>
    %dma_wait3A_594 = tpu.memref_squeeze %dma_wait3A_593 : memref<1x!tpu.dma_semaphore, #tpu.memory_space<semaphore_mem>> -> memref<!tpu.dma_semaphore, #tpu.memory_space<semaphore_mem>>
    tpu.wait_indirect_dma semaphore(%dma_wait3A_594 : memref<!tpu.dma_semaphore, #tpu.memory_space<semaphore_mem>>) src(%dma_wait3A_592 : memref<100000x128xf32, #tpu.memory_space<hbm>>) dst(%dma_wait3A_587 : memref<80x128xf32, #tpu.memory_space<vmem>>)
    %add3A_595 = arith.constant 6000 : i32
    %add3A_596 = arith.addi %mul3A_2, %add3A_595 : i32
    %dma_wait3A_597 = arith.constant 3 : i32
    %dma_wait3A_598 = arith.constant 3 : i32
    %dma_wait3A_599 = tpu.memref_slice %arg10[%dma_wait3A_598] : memref<4x!tpu.dma_semaphore, #tpu.memory_space<semaphore_mem>> -> memref<1x!tpu.dma_semaphore, #tpu.memory_space<semaphore_mem>>
    %dma_wait3A_600 = tpu.memref_squeeze %dma_wait3A_599 : memref<1x!tpu.dma_semaphore, #tpu.memory_space<semaphore_mem>> -> memref<!tpu.dma_semaphore, #tpu.memory_space<semaphore_mem>>
    %dma_wait3A_601 = arith.constant 0 : i32
    %dma_wait3A_602 = tpu.memref_slice %arg4[%add3A_596, %dma_wait3A_601] : memref<204800x128xf32, #tpu.memory_space<hbm>> -> memref<80x128xf32, #tpu.memory_space<hbm>>
    %dma_wait3A_603 = arith.constant 0 : i32
    %dma_wait3A_604 = arith.constant 0 : i32
    %dma_wait3A_605 = tpu.memref_slice %arg7[%arg1, %dma_wait3A_597, %dma_wait3A_603, %dma_wait3A_604] : memref<16x4x80x128xf32, #tpu.memory_space<vmem_shared>> -> memref<1x1x80x128xf32, #tpu.memory_space<vmem_shared>>
    %dma_wait3A_606 = tpu.memref_squeeze %dma_wait3A_605 : memref<1x1x80x128xf32, #tpu.memory_space<vmem_shared>> -> memref<80x128xf32, #tpu.memory_space<vmem_shared>>
    tpu.wait_dma2 semaphore(%dma_wait3A_600 : memref<!tpu.dma_semaphore, #tpu.memory_space<semaphore_mem>>) src(%dma_wait3A_606 : memref<80x128xf32, #tpu.memory_space<vmem_shared>>) dst(%dma_wait3A_602 : memref<80x128xf32, #tpu.memory_space<hbm>>)
    %dma_start3A_607 = arith.constant 3 : i32
    %dma_start3A_608 = arith.constant 3 : i32
    %dma_start3A_609 = arith.constant 3 : i32
    %dma_start3A_610 = arith.constant 0 : i32
    %dma_start3A_611 = arith.constant 0 : i32
    %dma_start3A_612 = tpu.memref_slice %arg6[%dma_start3A_607, %dma_start3A_610, %dma_start3A_611] : memref<4x80x128xf32, #tpu.memory_space<vmem>> -> memref<1x80x128xf32, #tpu.memory_space<vmem>>
    %dma_start3A_613 = tpu.memref_squeeze %dma_start3A_612 : memref<1x80x128xf32, #tpu.memory_space<vmem>> -> memref<80x128xf32, #tpu.memory_space<vmem>>
    %dma_start3A_614 = arith.constant 0 : i32
    %dma_start3A_615 = arith.constant 0 : i32
    %dma_start3A_616 = tpu.memref_slice %arg7[%arg1, %dma_start3A_608, %dma_start3A_614, %dma_start3A_615] : memref<16x4x80x128xf32, #tpu.memory_space<vmem_shared>> -> memref<1x1x80x128xf32, #tpu.memory_space<vmem_shared>>
    %dma_start3A_617 = tpu.memref_squeeze %dma_start3A_616 : memref<1x1x80x128xf32, #tpu.memory_space<vmem_shared>> -> memref<80x128xf32, #tpu.memory_space<vmem_shared>>
    %dma_start3A_618 = tpu.memref_slice %arg9[%dma_start3A_609] : memref<4x!tpu.dma_semaphore, #tpu.memory_space<semaphore_mem>> -> memref<1x!tpu.dma_semaphore, #tpu.memory_space<semaphore_mem>>
    %dma_start3A_619 = tpu.memref_squeeze %dma_start3A_618 : memref<1x!tpu.dma_semaphore, #tpu.memory_space<semaphore_mem>> -> memref<!tpu.dma_semaphore, #tpu.memory_space<semaphore_mem>>
    %dma_start3A_620 = arith.constant 0 : i32
    %dma_start3A_621 = arith.constant 0 : i32
    %dma_start3A_622 = tpu.memref_slice %arg7[%arg1, %dma_start3A_608, %dma_start3A_620, %dma_start3A_621] : memref<16x4x80x128xf32, #tpu.memory_space<vmem_shared>> -> memref<1x1x80x128xf32, #tpu.memory_space<vmem_shared>>
    %dma_start3A_623 = tpu.memref_squeeze %dma_start3A_622 : memref<1x1x80x128xf32, #tpu.memory_space<vmem_shared>> -> memref<80x128xf32, #tpu.memory_space<vmem_shared>>
    %dma_start3A_624 = arith.constant 0 : i32
    %dma_start3A_625 = arith.constant 0 : i32
    %dma_start3A_626 = tpu.memref_slice %arg6[%dma_start3A_607, %dma_start3A_624, %dma_start3A_625] : memref<4x80x128xf32, #tpu.memory_space<vmem>> -> memref<1x80x128xf32, #tpu.memory_space<vmem>>
    %dma_start3A_627 = tpu.memref_squeeze %dma_start3A_626 : memref<1x80x128xf32, #tpu.memory_space<vmem>> -> memref<80x128xf32, #tpu.memory_space<vmem>>
    tpu.enqueue_dma source(%dma_start3A_627 : memref<80x128xf32, #tpu.memory_space<vmem>>) target(%dma_start3A_623 : memref<80x128xf32, #tpu.memory_space<vmem_shared>>) target_semaphore(%dma_start3A_619 : memref<!tpu.dma_semaphore, #tpu.memory_space<semaphore_mem>>)
    %dma_wait3A_628 = arith.constant 2 : i32
    %dma_wait3A_629 = arith.constant 2 : i32
    %dma_wait3A_630 = arith.constant 2 : i32
    %dma_wait3A_631 = arith.constant 0 : i32
    %dma_wait3A_632 = arith.constant 0 : i32
    %dma_wait3A_633 = tpu.memref_slice %arg6[%dma_wait3A_628, %dma_wait3A_631, %dma_wait3A_632] : memref<4x80x128xf32, #tpu.memory_space<vmem>> -> memref<1x80x128xf32, #tpu.memory_space<vmem>>
    %dma_wait3A_634 = tpu.memref_squeeze %dma_wait3A_633 : memref<1x80x128xf32, #tpu.memory_space<vmem>> -> memref<80x128xf32, #tpu.memory_space<vmem>>
    %dma_wait3A_635 = arith.constant 0 : i32
    %dma_wait3A_636 = arith.constant 0 : i32
    %dma_wait3A_637 = tpu.memref_slice %arg7[%arg1, %dma_wait3A_629, %dma_wait3A_635, %dma_wait3A_636] : memref<16x4x80x128xf32, #tpu.memory_space<vmem_shared>> -> memref<1x1x80x128xf32, #tpu.memory_space<vmem_shared>>
    %dma_wait3A_638 = tpu.memref_squeeze %dma_wait3A_637 : memref<1x1x80x128xf32, #tpu.memory_space<vmem_shared>> -> memref<80x128xf32, #tpu.memory_space<vmem_shared>>
    %dma_wait3A_639 = tpu.memref_slice %arg9[%dma_wait3A_630] : memref<4x!tpu.dma_semaphore, #tpu.memory_space<semaphore_mem>> -> memref<1x!tpu.dma_semaphore, #tpu.memory_space<semaphore_mem>>
    %dma_wait3A_640 = tpu.memref_squeeze %dma_wait3A_639 : memref<1x!tpu.dma_semaphore, #tpu.memory_space<semaphore_mem>> -> memref<!tpu.dma_semaphore, #tpu.memory_space<semaphore_mem>>
    %dma_wait3A_641 = arith.constant 0 : i32
    %dma_wait3A_642 = arith.constant 0 : i32
    %dma_wait3A_643 = tpu.memref_slice %arg7[%arg1, %dma_wait3A_629, %dma_wait3A_641, %dma_wait3A_642] : memref<16x4x80x128xf32, #tpu.memory_space<vmem_shared>> -> memref<1x1x80x128xf32, #tpu.memory_space<vmem_shared>>
    %dma_wait3A_644 = tpu.memref_squeeze %dma_wait3A_643 : memref<1x1x80x128xf32, #tpu.memory_space<vmem_shared>> -> memref<80x128xf32, #tpu.memory_space<vmem_shared>>
    %dma_wait3A_645 = arith.constant 0 : i32
    %dma_wait3A_646 = arith.constant 0 : i32
    %dma_wait3A_647 = tpu.memref_slice %arg6[%dma_wait3A_628, %dma_wait3A_645, %dma_wait3A_646] : memref<4x80x128xf32, #tpu.memory_space<vmem>> -> memref<1x80x128xf32, #tpu.memory_space<vmem>>
    %dma_wait3A_648 = tpu.memref_squeeze %dma_wait3A_647 : memref<1x80x128xf32, #tpu.memory_space<vmem>> -> memref<80x128xf32, #tpu.memory_space<vmem>>
    tpu.wait_dma2 semaphore(%dma_wait3A_640 : memref<!tpu.dma_semaphore, #tpu.memory_space<semaphore_mem>>) src(%dma_wait3A_648 : memref<80x128xf32, #tpu.memory_space<vmem>>) dst(%dma_wait3A_644 : memref<80x128xf32, #tpu.memory_space<vmem_shared>>)
    %add3A_649 = arith.constant 6240 : i32
    %add3A_650 = arith.addi %mul3A_2, %add3A_649 : i32
    %dma_start3A_651 = arith.constant 2 : i32
    %dma_start3A_652 = arith.constant 2 : i32
    %dma_start3A_653 = tpu.memref_slice %arg10[%dma_start3A_652] : memref<4x!tpu.dma_semaphore, #tpu.memory_space<semaphore_mem>> -> memref<1x!tpu.dma_semaphore, #tpu.memory_space<semaphore_mem>>
    %dma_start3A_654 = tpu.memref_squeeze %dma_start3A_653 : memref<1x!tpu.dma_semaphore, #tpu.memory_space<semaphore_mem>> -> memref<!tpu.dma_semaphore, #tpu.memory_space<semaphore_mem>>
    %dma_start3A_655 = arith.constant 0 : i32
    %dma_start3A_656 = tpu.memref_slice %arg4[%add3A_650, %dma_start3A_655] : memref<204800x128xf32, #tpu.memory_space<hbm>> -> memref<80x128xf32, #tpu.memory_space<hbm>>
    %dma_start3A_657 = arith.constant 0 : i32
    %dma_start3A_658 = arith.constant 0 : i32
    %dma_start3A_659 = tpu.memref_slice %arg7[%arg1, %dma_start3A_651, %dma_start3A_657, %dma_start3A_658] : memref<16x4x80x128xf32, #tpu.memory_space<vmem_shared>> -> memref<1x1x80x128xf32, #tpu.memory_space<vmem_shared>>
    %dma_start3A_660 = tpu.memref_squeeze %dma_start3A_659 : memref<1x1x80x128xf32, #tpu.memory_space<vmem_shared>> -> memref<80x128xf32, #tpu.memory_space<vmem_shared>>
    tpu.enqueue_dma source(%dma_start3A_660 : memref<80x128xf32, #tpu.memory_space<vmem_shared>>) target(%dma_start3A_656 : memref<80x128xf32, #tpu.memory_space<hbm>>) target_semaphore(%dma_start3A_654 : memref<!tpu.dma_semaphore, #tpu.memory_space<semaphore_mem>>)
    %dma_wait3A_661 = arith.constant 3 : i32
    %dma_wait3A_662 = arith.constant 3 : i32
    %dma_wait3A_663 = arith.constant 3 : i32
    %dma_wait3A_664 = arith.constant 0 : i32
    %dma_wait3A_665 = arith.constant 0 : i32
    %dma_wait3A_666 = tpu.memref_slice %arg6[%dma_wait3A_661, %dma_wait3A_664, %dma_wait3A_665] : memref<4x80x128xf32, #tpu.memory_space<vmem>> -> memref<1x80x128xf32, #tpu.memory_space<vmem>>
    %dma_wait3A_667 = tpu.memref_squeeze %dma_wait3A_666 : memref<1x80x128xf32, #tpu.memory_space<vmem>> -> memref<80x128xf32, #tpu.memory_space<vmem>>
    %dma_wait3A_668 = arith.constant 0 : i32
    %dma_wait3A_669 = arith.constant 0 : i32
    %dma_wait3A_670 = tpu.memref_slice %arg7[%arg1, %dma_wait3A_662, %dma_wait3A_668, %dma_wait3A_669] : memref<16x4x80x128xf32, #tpu.memory_space<vmem_shared>> -> memref<1x1x80x128xf32, #tpu.memory_space<vmem_shared>>
    %dma_wait3A_671 = tpu.memref_squeeze %dma_wait3A_670 : memref<1x1x80x128xf32, #tpu.memory_space<vmem_shared>> -> memref<80x128xf32, #tpu.memory_space<vmem_shared>>
    %dma_wait3A_672 = tpu.memref_slice %arg9[%dma_wait3A_663] : memref<4x!tpu.dma_semaphore, #tpu.memory_space<semaphore_mem>> -> memref<1x!tpu.dma_semaphore, #tpu.memory_space<semaphore_mem>>
    %dma_wait3A_673 = tpu.memref_squeeze %dma_wait3A_672 : memref<1x!tpu.dma_semaphore, #tpu.memory_space<semaphore_mem>> -> memref<!tpu.dma_semaphore, #tpu.memory_space<semaphore_mem>>
    %dma_wait3A_674 = arith.constant 0 : i32
    %dma_wait3A_675 = arith.constant 0 : i32
    %dma_wait3A_676 = tpu.memref_slice %arg7[%arg1, %dma_wait3A_662, %dma_wait3A_674, %dma_wait3A_675] : memref<16x4x80x128xf32, #tpu.memory_space<vmem_shared>> -> memref<1x1x80x128xf32, #tpu.memory_space<vmem_shared>>
    %dma_wait3A_677 = tpu.memref_squeeze %dma_wait3A_676 : memref<1x1x80x128xf32, #tpu.memory_space<vmem_shared>> -> memref<80x128xf32, #tpu.memory_space<vmem_shared>>
    %dma_wait3A_678 = arith.constant 0 : i32
    %dma_wait3A_679 = arith.constant 0 : i32
    %dma_wait3A_680 = tpu.memref_slice %arg6[%dma_wait3A_661, %dma_wait3A_678, %dma_wait3A_679] : memref<4x80x128xf32, #tpu.memory_space<vmem>> -> memref<1x80x128xf32, #tpu.memory_space<vmem>>
    %dma_wait3A_681 = tpu.memref_squeeze %dma_wait3A_680 : memref<1x80x128xf32, #tpu.memory_space<vmem>> -> memref<80x128xf32, #tpu.memory_space<vmem>>
    tpu.wait_dma2 semaphore(%dma_wait3A_673 : memref<!tpu.dma_semaphore, #tpu.memory_space<semaphore_mem>>) src(%dma_wait3A_681 : memref<80x128xf32, #tpu.memory_space<vmem>>) dst(%dma_wait3A_677 : memref<80x128xf32, #tpu.memory_space<vmem_shared>>)
    %add3A_682 = arith.constant 6320 : i32
    %add3A_683 = arith.addi %mul3A_2, %add3A_682 : i32
    %dma_start3A_684 = arith.constant 3 : i32
    %dma_start3A_685 = arith.constant 3 : i32
    %dma_start3A_686 = tpu.memref_slice %arg10[%dma_start3A_685] : memref<4x!tpu.dma_semaphore, #tpu.memory_space<semaphore_mem>> -> memref<1x!tpu.dma_semaphore, #tpu.memory_space<semaphore_mem>>
    %dma_start3A_687 = tpu.memref_squeeze %dma_start3A_686 : memref<1x!tpu.dma_semaphore, #tpu.memory_space<semaphore_mem>> -> memref<!tpu.dma_semaphore, #tpu.memory_space<semaphore_mem>>
    %dma_start3A_688 = arith.constant 0 : i32
    %dma_start3A_689 = tpu.memref_slice %arg4[%add3A_683, %dma_start3A_688] : memref<204800x128xf32, #tpu.memory_space<hbm>> -> memref<80x128xf32, #tpu.memory_space<hbm>>
    %dma_start3A_690 = arith.constant 0 : i32
    %dma_start3A_691 = arith.constant 0 : i32
    %dma_start3A_692 = tpu.memref_slice %arg7[%arg1, %dma_start3A_684, %dma_start3A_690, %dma_start3A_691] : memref<16x4x80x128xf32, #tpu.memory_space<vmem_shared>> -> memref<1x1x80x128xf32, #tpu.memory_space<vmem_shared>>
    %dma_start3A_693 = tpu.memref_squeeze %dma_start3A_692 : memref<1x1x80x128xf32, #tpu.memory_space<vmem_shared>> -> memref<80x128xf32, #tpu.memory_space<vmem_shared>>
    tpu.enqueue_dma source(%dma_start3A_693 : memref<80x128xf32, #tpu.memory_space<vmem_shared>>) target(%dma_start3A_689 : memref<80x128xf32, #tpu.memory_space<hbm>>) target_semaphore(%dma_start3A_687 : memref<!tpu.dma_semaphore, #tpu.memory_space<semaphore_mem>>)
    %add3A_694 = arith.constant 6080 : i32
    %add3A_695 = arith.addi %mul3A_2, %add3A_694 : i32
    %dma_wait3A_696 = arith.constant 0 : i32
    %dma_wait3A_697 = arith.constant 0 : i32
    %dma_wait3A_698 = tpu.memref_slice %arg10[%dma_wait3A_697] : memref<4x!tpu.dma_semaphore, #tpu.memory_space<semaphore_mem>> -> memref<1x!tpu.dma_semaphore, #tpu.memory_space<semaphore_mem>>
    %dma_wait3A_699 = tpu.memref_squeeze %dma_wait3A_698 : memref<1x!tpu.dma_semaphore, #tpu.memory_space<semaphore_mem>> -> memref<!tpu.dma_semaphore, #tpu.memory_space<semaphore_mem>>
    %dma_wait3A_700 = arith.constant 0 : i32
    %dma_wait3A_701 = tpu.memref_slice %arg4[%add3A_695, %dma_wait3A_700] : memref<204800x128xf32, #tpu.memory_space<hbm>> -> memref<80x128xf32, #tpu.memory_space<hbm>>
    %dma_wait3A_702 = arith.constant 0 : i32
    %dma_wait3A_703 = arith.constant 0 : i32
    %dma_wait3A_704 = tpu.memref_slice %arg7[%arg1, %dma_wait3A_696, %dma_wait3A_702, %dma_wait3A_703] : memref<16x4x80x128xf32, #tpu.memory_space<vmem_shared>> -> memref<1x1x80x128xf32, #tpu.memory_space<vmem_shared>>
    %dma_wait3A_705 = tpu.memref_squeeze %dma_wait3A_704 : memref<1x1x80x128xf32, #tpu.memory_space<vmem_shared>> -> memref<80x128xf32, #tpu.memory_space<vmem_shared>>
    tpu.wait_dma2 semaphore(%dma_wait3A_699 : memref<!tpu.dma_semaphore, #tpu.memory_space<semaphore_mem>>) src(%dma_wait3A_705 : memref<80x128xf32, #tpu.memory_space<vmem_shared>>) dst(%dma_wait3A_701 : memref<80x128xf32, #tpu.memory_space<hbm>>)
    %add3A_706 = arith.constant 6160 : i32
    %add3A_707 = arith.addi %mul3A_2, %add3A_706 : i32
    %dma_wait3A_708 = arith.constant 1 : i32
    %dma_wait3A_709 = arith.constant 1 : i32
    %dma_wait3A_710 = tpu.memref_slice %arg10[%dma_wait3A_709] : memref<4x!tpu.dma_semaphore, #tpu.memory_space<semaphore_mem>> -> memref<1x!tpu.dma_semaphore, #tpu.memory_space<semaphore_mem>>
    %dma_wait3A_711 = tpu.memref_squeeze %dma_wait3A_710 : memref<1x!tpu.dma_semaphore, #tpu.memory_space<semaphore_mem>> -> memref<!tpu.dma_semaphore, #tpu.memory_space<semaphore_mem>>
    %dma_wait3A_712 = arith.constant 0 : i32
    %dma_wait3A_713 = tpu.memref_slice %arg4[%add3A_707, %dma_wait3A_712] : memref<204800x128xf32, #tpu.memory_space<hbm>> -> memref<80x128xf32, #tpu.memory_space<hbm>>
    %dma_wait3A_714 = arith.constant 0 : i32
    %dma_wait3A_715 = arith.constant 0 : i32
    %dma_wait3A_716 = tpu.memref_slice %arg7[%arg1, %dma_wait3A_708, %dma_wait3A_714, %dma_wait3A_715] : memref<16x4x80x128xf32, #tpu.memory_space<vmem_shared>> -> memref<1x1x80x128xf32, #tpu.memory_space<vmem_shared>>
    %dma_wait3A_717 = tpu.memref_squeeze %dma_wait3A_716 : memref<1x1x80x128xf32, #tpu.memory_space<vmem_shared>> -> memref<80x128xf32, #tpu.memory_space<vmem_shared>>
    tpu.wait_dma2 semaphore(%dma_wait3A_711 : memref<!tpu.dma_semaphore, #tpu.memory_space<semaphore_mem>>) src(%dma_wait3A_717 : memref<80x128xf32, #tpu.memory_space<vmem_shared>>) dst(%dma_wait3A_713 : memref<80x128xf32, #tpu.memory_space<hbm>>)
    %add3A_718 = arith.constant 6240 : i32
    %add3A_719 = arith.addi %mul3A_2, %add3A_718 : i32
    %dma_wait3A_720 = arith.constant 2 : i32
    %dma_wait3A_721 = arith.constant 2 : i32
    %dma_wait3A_722 = tpu.memref_slice %arg10[%dma_wait3A_721] : memref<4x!tpu.dma_semaphore, #tpu.memory_space<semaphore_mem>> -> memref<1x!tpu.dma_semaphore, #tpu.memory_space<semaphore_mem>>
    %dma_wait3A_723 = tpu.memref_squeeze %dma_wait3A_722 : memref<1x!tpu.dma_semaphore, #tpu.memory_space<semaphore_mem>> -> memref<!tpu.dma_semaphore, #tpu.memory_space<semaphore_mem>>
    %dma_wait3A_724 = arith.constant 0 : i32
    %dma_wait3A_725 = tpu.memref_slice %arg4[%add3A_719, %dma_wait3A_724] : memref<204800x128xf32, #tpu.memory_space<hbm>> -> memref<80x128xf32, #tpu.memory_space<hbm>>
    %dma_wait3A_726 = arith.constant 0 : i32
    %dma_wait3A_727 = arith.constant 0 : i32
    %dma_wait3A_728 = tpu.memref_slice %arg7[%arg1, %dma_wait3A_720, %dma_wait3A_726, %dma_wait3A_727] : memref<16x4x80x128xf32, #tpu.memory_space<vmem_shared>> -> memref<1x1x80x128xf32, #tpu.memory_space<vmem_shared>>
    %dma_wait3A_729 = tpu.memref_squeeze %dma_wait3A_728 : memref<1x1x80x128xf32, #tpu.memory_space<vmem_shared>> -> memref<80x128xf32, #tpu.memory_space<vmem_shared>>
    tpu.wait_dma2 semaphore(%dma_wait3A_723 : memref<!tpu.dma_semaphore, #tpu.memory_space<semaphore_mem>>) src(%dma_wait3A_729 : memref<80x128xf32, #tpu.memory_space<vmem_shared>>) dst(%dma_wait3A_725 : memref<80x128xf32, #tpu.memory_space<hbm>>)
    %add3A_730 = arith.constant 6320 : i32
    %add3A_731 = arith.addi %mul3A_2, %add3A_730 : i32
    %dma_wait3A_732 = arith.constant 3 : i32
    %dma_wait3A_733 = arith.constant 3 : i32
    %dma_wait3A_734 = tpu.memref_slice %arg10[%dma_wait3A_733] : memref<4x!tpu.dma_semaphore, #tpu.memory_space<semaphore_mem>> -> memref<1x!tpu.dma_semaphore, #tpu.memory_space<semaphore_mem>>
    %dma_wait3A_735 = tpu.memref_squeeze %dma_wait3A_734 : memref<1x!tpu.dma_semaphore, #tpu.memory_space<semaphore_mem>> -> memref<!tpu.dma_semaphore, #tpu.memory_space<semaphore_mem>>
    %dma_wait3A_736 = arith.constant 0 : i32
    %dma_wait3A_737 = tpu.memref_slice %arg4[%add3A_731, %dma_wait3A_736] : memref<204800x128xf32, #tpu.memory_space<hbm>> -> memref<80x128xf32, #tpu.memory_space<hbm>>
    %dma_wait3A_738 = arith.constant 0 : i32
    %dma_wait3A_739 = arith.constant 0 : i32
    %dma_wait3A_740 = tpu.memref_slice %arg7[%arg1, %dma_wait3A_732, %dma_wait3A_738, %dma_wait3A_739] : memref<16x4x80x128xf32, #tpu.memory_space<vmem_shared>> -> memref<1x1x80x128xf32, #tpu.memory_space<vmem_shared>>
    %dma_wait3A_741 = tpu.memref_squeeze %dma_wait3A_740 : memref<1x1x80x128xf32, #tpu.memory_space<vmem_shared>> -> memref<80x128xf32, #tpu.memory_space<vmem_shared>>
    tpu.wait_dma2 semaphore(%dma_wait3A_735 : memref<!tpu.dma_semaphore, #tpu.memory_space<semaphore_mem>>) src(%dma_wait3A_741 : memref<80x128xf32, #tpu.memory_space<vmem_shared>>) dst(%dma_wait3A_737 : memref<80x128xf32, #tpu.memory_space<hbm>>)
    return
  }
}

</mosaic_0001>

<sc_bundles>
// kernel: kernel.3.cloned.1.call-start
scs
__scs_entry_jumppad:
0x0: {  	(pc) =	sbr.rel $0x88, $3  }
0x1: {  	(tag) =	ssettag $0x0;
	lr =	simm.s32 $0x1  }
0x2: {  	[smem:$0x3F9F] =	sst lr;
	_ =	strace $0xD0000000  }
0x3: {  	_ = 	snop  }
0x4: {  	_ = 	snop  }
0x5: {  	_ = 	snop  }
0x6: {  	_ = 	snop  }
0x7: {  	_ = 	snop  }
__scs_overlays_trampoline_lowered:
0x8: {  	[smem:$0x3FAE] =	sst s0  }
0x9: {  	[smem:$0x3FAF] =	sst s1  }
0xa: {  	[smem:$0x3FB0] =	sst s2  }
0xb: {  	[smem:$0x3FB1] =	sst s3  }
0xc: {  	[smem:$0x3FB2] =	sst s4  }
0xd: {  	[smem:$0x3FB3] =	sst s5  }
0xe: {  	[smem:$0x3FB4] =	sst s6  }
0xf: {  	[smem:$0x3FB5] =	sst s7  }
0x10: {  	[smem:$0x3FB6] =	sst s8  }
0x11: {  	[smem:$0x3FB7] =	sst s9;
	s0 =	simm.s32 @!p0 $0x0  }
0x12: {  	s1 =	sld [smem:$0x3F9D];
	s0 =	simm.s32 @p0 $0x1  }
0x13: {  	[smem:$0x3FB8] =	sst s0;
	s0 =	simm.s32 @!p1 $0x0  }
0x14: {  	s2 =	sld [smem:$0x3F9C];
	s0 =	simm.s32 @p1 $0x1  }
0x15: {  	[smem:$0x3FB9] =	sst s0;
	s0 =	simm.s32 @!p2 $0x0  }
0x16: {  	s3 =	sld [smem:$0x3FDB];
	s0 =	simm.s32 @p2 $0x1  }
0x17: {  	s4 =	simm.s32 $0x1BF5;
	[smem:$0x3FBB] =	sst s0  }
0x18: {  	s0 =	sld [smem:$0x3F9E];
	_ =	swait.ge [sflag:s4], $0x0  }
0x19: {  	s7 =	sld [smem:$0x3F9F]  }
0x1a: {  	s8 =	sadd.s32 $0xFFFFE003, lr  }
0x1b: {  	s9 =	sadd.s32 $0xFFFFFEF7, lr;
	s5 =	simm.s32 $0xFFFFFFFF;
	p2 =	slt.u32 s8, $0xFFFFF086  }
0x1c: {  	p1 =	slt.u32 s9, $0xF7A;
	s5 =	simm.s32 @!p2 $0x0  }
0x1d: {  	s5 =	simm.s32 @p1 $0x1;
	p0 =	seq.s32 s7, s2  }
0x1e: {  	s7 =	smul.u32 @!p0 $0xF7A, s2;
	p2 =	seq.s32 @!p0 s5, $0x0  }
0x1f: {  	s9 =	smul.u32 $0xF7A, s1;
	s8 =	simm.s32 @!p0 $0x1BF5;
	p2 =	por !p2, p0  }
0x20: {  	[sflag:s8] =	ssyncset.s32 @!p0 $0xFFFFF086;
	s6 =	sadd.s32 @!p0 s3, s7;
	s7 =	simm.s32 @!p0 $0x108  }
0x21: {  	s3 =	sadd.s32 s3, s9;
	s6 =	sadd.s32 @!p0 $0x88, s6;
	s7 =	simm.s32 @p2 $0x1082  }
0x22: {  	[simem:s7], [sflag:s8] =	dma.local @!p0 [hbm:s6], $0xF7A  }
0x23: {  	s9 =	sor.u32 $0xD0000000, s2;
	s6 =	simm.s32 $0x108;
	_ =	swait.ge @!p0 [sflag:s8], $0x0  }
0x24: {  	s3 =	sadd.s32 $0x88, s3;
	s6 =	simm.s32 @!p1 $0x1082;
	[sflag:s4] =	ssyncset.s32 $0xFFFFF086  }
0x25: {  	[simem:s6], [sflag:s4] =	dma.local [hbm:s3], $0xF7A  }
0x26: {  	[smem:$0x3F9F] =	sst s1;
	(tag) =	ssettag s2;
	_ =	strace s9  }
0x27: {  	s1 =	sld [smem:$0x3FAF]  }
0x28: {  	s2 =	sld [smem:$0x3FB0]  }
0x29: {  	s4 =	sld [smem:$0x3FB2]  }
0x2a: {  	p0 =	seq.s32 s5, $0x0;
	s5 =	sld [smem:$0x3FB3]  }
0x2b: {  	s6 =	sld [smem:$0x3FB4]  }
0x2c: {  	s7 =	sld [smem:$0x3FB5]  }
0x2d: {  	s3 =	simm.s32 $0x108;
	s8 =	sld [smem:$0x3FB6]  }
0x2e: {  	s3 =	simm.s32 @!p0 $0x1082;
	s9 =	sld [smem:$0x3FB7]  }
0x2f: {  	lr =	sadd.s32 s0, s3;
	s0 =	sld [smem:$0x3FAE]  }
0x30: {  	s3 =	sld [smem:$0x3FB1]  }
0x31: {  	[smem:$0x3FBA] =	sst s10  }
0x32: {  	s10 =	sld [smem:$0x3FB8];
	_ =	sdelay $0x3  }
0x33: {  	p0 =	seq.s32 s10, $0x1;
	s10 =	sld [smem:$0x3FBA];
	_ =	sdelay $0x3  }
0x34: {  	[smem:$0x3FBA] =	sst s10  }
0x35: {  	s10 =	sld [smem:$0x3FB9];
	_ =	sdelay $0x3  }
0x36: {  	p1 =	seq.s32 s10, $0x1;
	s10 =	sld [smem:$0x3FBA];
	_ =	sdelay $0x3  }
0x37: {  	[smem:$0x3FBA] =	sst s10  }
0x38: {  	s10 =	sld [smem:$0x3FBB]  }
0x39: {  	_ = 	snop;
	(pc) =	sbr.ind lr, $3  }
0x3a: {  	_ = 	snop  }
0x3b: {  	_ = 	snop  }
0x3c: {  	p2 =	seq.s32 s10, $0x1;
	s10 =	sld [smem:$0x3FBA]  }
0x3d: {  	_ =	shalt  }
0x3e: {  	_ =	shalt  }
0x3f: {  	_ =	shalt  }
0x40: {  	_ =	shalt  }
0x41: {  	_ =	shalt  }
0x42: {  	_ =	shalt  }
0x43: {  	_ =	shalt  }
0x44: {  	_ =	shalt  }
0x45: {  	_ =	shalt  }
0x46: {  	_ =	shalt  }
0x47: {  	_ =	shalt  }
0x48: {  	_ =	shalt  }
0x49: {  	_ =	shalt  }
0x4a: {  	_ =	shalt  }
0x4b: {  	_ =	shalt  }
0x4c: {  	_ =	shalt  }
0x4d: {  	_ =	shalt  }
0x4e: {  	_ =	shalt  }
0x4f: {  	_ =	shalt  }
0x50: {  	_ =	shalt  }
0x51: {  	_ =	shalt  }
0x52: {  	_ =	shalt  }
0x53: {  	_ =	shalt  }
0x54: {  	_ =	shalt  }
0x55: {  	_ =	shalt  }
0x56: {  	_ =	shalt  }
0x57: {  	_ =	shalt  }
0x58: {  	_ =	shalt  }
0x59: {  	_ =	shalt  }
0x5a: {  	_ =	shalt  }
0x5b: {  	_ =	shalt  }
0x5c: {  	_ =	shalt  }
0x5d: {  	_ =	shalt  }
0x5e: {  	_ =	shalt  }
0x5f: {  	_ =	shalt  }
0x60: {  	_ =	shalt  }
0x61: {  	_ =	shalt  }
0x62: {  	_ =	shalt  }
0x63: {  	_ =	shalt  }
0x64: {  	_ =	shalt  }
0x65: {  	_ =	shalt  }
0x66: {  	_ =	shalt  }
0x67: {  	_ =	shalt  }
0x68: {  	_ =	shalt  }
0x69: {  	_ =	shalt  }
0x6a: {  	_ =	shalt  }
0x6b: {  	_ =	shalt  }
0x6c: {  	_ =	shalt  }
0x6d: {  	_ =	shalt  }
0x6e: {  	_ =	shalt  }
0x6f: {  	_ =	shalt  }
0x70: {  	_ =	shalt  }
0x71: {  	_ =	shalt  }
0x72: {  	_ =	shalt  }
0x73: {  	_ =	shalt  }
0x74: {  	_ =	shalt  }
0x75: {  	_ =	shalt  }
0x76: {  	_ =	shalt  }
0x77: {  	_ =	shalt  }
0x78: {  	_ =	shalt  }
0x79: {  	_ =	shalt  }
0x7a: {  	_ =	shalt  }
0x7b: {  	_ =	shalt  }
0x7c: {  	_ =	shalt  }
0x7d: {  	_ =	shalt  }
0x7e: {  	_ =	shalt  }
0x7f: {  	_ =	shalt  }
0x80: {  	_ =	shalt  }
0x81: {  	_ =	shalt  }
0x82: {  	_ =	shalt  }
0x83: {  	_ =	shalt  }
0x84: {  	_ =	shalt  }
0x85: {  	_ =	shalt  }
0x86: {  	_ =	shalt  }
0x87: {  	_ =	shalt  }
.Lfunc_end0:
.L_simem_size_0:
called_computation_lowered:
.L_overlay_start_0:
0x88: {  	s2 =	sld [smem:$0x3FD9]  }
0x89: {  	s3 =	sld [smem:$0x3FFE];
	_ =	sdelay $0x1  }
0x8a: {  	s1 =	srdreg.scid  }
0x8b: {  	s0 =	sand.u32 $0x1, s1  }
0x8c: {  	s17 =	sshll.u32 s0, $0xA;
	s2 =	sadd.s32 s3, s2  }
0x8d: {  	s2 =	sadd.s32 s2, s17  }
0x8e: {  	[smem:$0x3FC6] =	sst s2  }
0x8f: {  	_ = 	snop  }
0x90: {  	s2 =	sld [smem:$0x3FC8]  }
0x91: {  	s18 =	sld [smem:$0x3FD0];
	(tm) =	ssettm $0x1  }
0x92: {  	s4 =	sld [smem:$0x3FFB];
	_ =	sdelay $0x3  }
0x93: {  	_ =	strace s4  }
0x94: {  	s4 =	sld [smem:$0x3FFC];
	_ =	sdelay $0x3  }
0x95: {  	_ =	strace s4  }
0x96: {  	s4 =	sld [smem:$0x3FFD];
	_ =	sdelay $0x3  }
0x97: {  	_ =	strace s4  }
0x98: {  	_ =	strace $0x8FFFFFFF  }
0x99: {  	s19 =	sld [smem:$0x3FDB];
	_ =	sdelay $0x1  }
0x9a: {  	s5 =	simm.s32 $_scs_section_size  }
0x9b: {  	s6 =	simm.s32 $_size__tile_overlayer_lowered;
	s7 =	simm.s32 $_tile_overlayer_lowered  }
0x9c: {  	s22 =	simm.s32 $0x1BFF;
	s21 =	sshll.u32 s7, $0x1;
	s4 =	sadd.s32 s5, s19  }
0x9d: {  	s8 =	simm.s32 $0x0;
	s20 =	sshll.u32 s6, $0x1;
	s6 =	sadd.s32 s21, s4  }
0x9e: {  	[timem:s8], [sflag:s22] =	dma.local [hbm:s6], s20  }
0x9f: {  	_ =	swait.ge [sflag:s22], s20  }
0xa0: {  	s5 =	ssub.s32 $0x0, s20;
	[sflag:s22] =	ssyncset.done $0x0  }
0xa1: {  	[sflag:s22] =	ssyncadd.s32 s5;
	_ =	sdelay $0x1  }
0xa2: {  	s23 =	simm.s32 $0x1B8B  }
0xa3: {  	_ =	swait.ge [sflag:s23], $0x1  }
0xa4: {  	[sflag:s23] =	ssyncset.done $0x0  }
0xa5: {  	s25 =	simm.s32 $0x1B8E;
	s24 =	sld [smem:$0x3FFE];
	[sflag:s23] =	ssyncadd.s32 $0xFFFFFFFF  }
0xa6: {  	s26 =	simm.s32 $execute0_lowered;
	[smem:$0x3FD2] =	sst s25  }
0xa7: {  	s6 =	sshll.u32 s26, $0x1;
	_ =	strace $0x80000046;
	[dreg:$0x1] =	wrdreg $0xFFFFFFFF  }
0xa8: {  	s28 =	simm.s32 $_size_execute0_lowered;
	s4 =	sadd.s32 s4, s6;
	[dreg:$0x0] =	wrdreg $0x0  }
0xa9: {  	s6 =	sshll.u32 s28, $0x1;
	[dreg:$0x2] =	wrdreg s4  }
0xaa: {  	[dreg:$0x3] =	wrdreg s6  }
0xab: {  	[dreg:$0x4] =	wrdreg $0xC0  }
0xac: {  	_ =	task [dreg:s8], $0x5FFFF  }
0xad: {  	[dreg:$0x1] =	wrdreg $0xFFFFFFFF  }
0xae: {  	[dreg:$0x0] =	wrdreg $0x60  }
0xaf: {  	[dreg:$0x2] =	wrdreg s24  }
0xb0: {  	[dreg:$0x3] =	wrdreg s2  }
0xb1: {  	[dreg:$0x4] =	wrdreg s18  }
0xb2: {  	[dreg:$0x5] =	wrdreg $0xB9000  }
0xb3: {  	[dreg:$0x6] =	wrdreg $0x9  }
0xb4: {  	_ =	task.clear_ibuf [dreg:s8], $0x7FFFF;
	_ =	strace $0x90000046  }
0xb5: {  	s29 =	simm.s32 $0x9;
	_ =	strace $0x80000048  }
0xb6: {  	_ =	swait.ge [sflag:s29], $0x1  }
0xb7: {  	[sflag:s29] =	ssyncadd.s32 $0xFFFFFFFF  }
0xb8: {  	_ =	strace $0x90000048  }
0xb9: {  	_ =	sfence  }
0xba: {  	s30 =	sld [smem:$0x0];
	_ =	sdelay $0x2  }
0xbb: {  	s31 =	sshll.u32 s1, $0xD;
	s1 =	sshrl.u32 s1, $0x2  }
0xbc: {  	s3 =	sand.u32 $0x4000, s31;
	s1 =	sadd.s32 s1, s30  }
0xbd: {  	s0 =	sor.u32 s3, s0;
	s1 =	sshll.u32 s1, $0x11  }
0xbe: {  	s0 =	sor.u32 s1, s0  }
0xbf: {  	s0 =	sadd.s32 $0x8F2B, s0  }
0xc0: {  	[sflag:s0] =	ssyncadd.remote.s32 $0x1  }
0xc1: {  	_ =	sfence.sel $0xFFFF  }
0xc2: {  	[dreg:$0x0] =	wrdreg $0xFFFFFFFF;
	(pc) =	sbr.abs _section_cstart, $3  }
0xc3: {  	[dreg:$0x1] =	wrdreg $0xFFFFFFFF  }
0xc4: {  	_ =	task.clear_ibuf [dreg:s8], $0x2FFFF;
	_ =	strace $0x9FFFFFFF  }
0xc5: {  	(tm) =	ssettm $0x7FFFFFFF  }
tec
execute0_lowered:
.L_overlay_start_1:
0x0: {  	(tag) =	ssettag $0x1  }
0x1: {  	s0 =	rddreg [dreg:$0x0]  }
0x2: {  	s2 =	srdreg.scid;
	s1 =	rddreg [dreg:$0x1]  }
0x3: {  	s10 =	stileid.u32;
	s4 =	rddreg [dreg:$0x2]  }
0x4: {  	s5 =	rddreg [dreg:$0x3];
	s7 =	simm.s32 $0x0;
	s28 =	simm.s32 $0x5  }
0x5: {  	s31 =	simm.s32 $0x3;
	s29 =	simm.s32 $0x7;
	s12 =	smul.u32 $0x28000, s10  }
0x6: {  	s2 =	sand.u32 $0x1, s2;
	s3 =	sshll.u32 s10, $0x1;
	s21 =	smul.u32 $0x32000, s10  }
0x7: {  	s3 =	sor.u32 s2, s3;
	s13 =	ssub.s32 $0x2, s2;
	s2 =	smul.u32 $0x19000, s2  }
0x8: {  	s11 =	simm.s32 $0xC;
	[smem:$0x7FF] =	sst s7;
	s6 =	smul.u32 $0x1900, s3  }
0x9: {  	_ =	strace $0x80000047;
	s7 =	sshrl.u32 s12, $0x2;
	s9 =	smul.u32 $0x19000, s3  }
0xa: {  	s8 =	sshrl.u32 s13, $0x1;
	s16 =	smul.u32 $0xC8000, s3;
	s5 =	sadd.s32 s7, s5  }
0xb: {  	s3 =	sadd.s32 s21, s4;
	s14 =	sadd.s32 $0x2800, s5;
	[dreg:$0x5] =	wrdreg s5  }
0xc: {  	s26 =	sadd.s32 s2, s3;
	s17 =	sadd.s32 $0x5000, s5;
	[dreg:$0x6] =	wrdreg s14  }
0xd: {  	s2 =	simm.s32 $0x6;
	s19 =	sadd.s32 $0x7800, s5;
	[dreg:$0x7] =	wrdreg s17  }
0xe: {  	s3 =	simm.s32 $0x8;
	s15 =	sadd.s32 s4, s9;
	[dreg:$0x8] =	wrdreg s19  }
0xf: {  	s6 =	sshrl.u32 s6, $0x3;
	s18 =	sadd.s32 $0x500, s15;
	[dreg:$0xa] =	wrdreg s15  }
0x10: {  	s0 =	sadd.s32 s6, s0;
	s20 =	sadd.s32 $0xA00, s15;
	[dreg:$0xb] =	wrdreg s18  }
0x11: {  	s6 =	ssub.s32 s13, s8;
	s0 =	sadd.s32 $0x400, s0;
	[dreg:$0xc] =	wrdreg s20  }
0x12: {  	s22 =	sadd.s32 $0xF00, s15;
	[dreg:$0x9] =	wrdreg s0;
	s0 =	sshrl.u32 s16, $0x3  }
0x13: {  	[dreg:$0xd] =	wrdreg s22;
	s30 =	smax.u32 s6, $0x1;
	s0 =	sadd.s32 s4, s0  }
0x14: {  	s9 =	simm.s32 $0xB;
	[dreg:$0x12] =	wrdreg s30;
	s23 =	sadd.s32 $0x1400, s0  }
0x15: {  	s20 =	simm.s32 $0x50;
	s24 =	sadd.s32 $0x1900, s0;
	[dreg:$0xe] =	wrdreg s23  }
0x16: {  	s6 =	simm.s32 $0x0;
	s25 =	sadd.s32 $0x18600, s0;
	[dreg:$0xf] =	wrdreg s24  }
0x17: {  	s4 =	simm.s32 $0xA;
	s0 =	sadd.s32 $0x18B00, s0;
	[dreg:$0x10] =	wrdreg s25  }
0x18: {  	[dreg:$0x11] =	wrdreg s0;
	s0 =	sadd.s32 $0x1E00, s26;
	s26 =	simm.s32 $0x2  }
0x19: {  	s24 =	simm.s32 $0x4;
	[dreg:$0x13] =	wrdreg s0;
	s0 =	simm.s32 $0x9  }
.LBB2_1:
0x1a: {  	[dreg:$0x14] =	wrdreg s6  }
0x1b: {  	s5 =	simm.s32 $0x0;
	s12 =	rddreg [dreg:$0x9];
	s13 =	simm.s32 $0xD  }
0x1c: {  	[tilespmem:s5], [sflag:$0xD] =	stream.linear.gather [hbm4b:s12+s5], $0x1900, $0x38;
	[tilespmem:$0x15900] =	vst v63  }
0x1d: {  	_ =	swait.ge [sflag:s13], $0x1900  }
0x1e: {  	[sflag:s13] =	ssyncset.done $0x0  }
0x1f: {  	s23 =	simm.s32 $0x1900;
	[sflag:s13] =	ssyncadd.s32 $0xFFFFE700  }
0x20: {  	[tilespmem:s23], [sflag:$0x1] =	stream.indirect.gather [hbm4b:s1+s20], $0x80, s5, s20, $0xb8;
	[tilespmem:$0x15900] =	vst v63  }
0x21: {  	s7 =	simm.s32 $0x4100;
	s19 =	simm.s32 $0x1  }
0x22: {  	[tilespmem:s7], [sflag:$0x2] =	stream.indirect.gather [hbm4b:s1+s20], $0x80, s20, s20, $0xb8;
	[tilespmem:$0x15900] =	vst v63  }
0x23: {  	_ =	swait.ge [sflag:s19], $0x2800  }
0x24: {  	[sflag:s19] =	ssyncset.done $0x0  }
0x25: {  	s22 =	rddreg [dreg:$0x5];
	[sflag:s19] =	ssyncadd.s32 $0xFFFFD800  }
0x26: {  	[spmem:s22] =	stream.linear.scatter [tilespmem:s23], [sflag:$0x5], $0x2800, $0x38;
	[tilespmem:$0x15900] =	vst v63  }
0x27: {  	s14 =	simm.s32 $0xA0;
	s15 =	simm.s32 $0x6900  }
0x28: {  	[tilespmem:s15], [sflag:$0x3] =	stream.indirect.gather [hbm4b:s1+s20], $0x80, s14, s20, $0xb8;
	[tilespmem:$0x15900] =	vst v63  }
0x29: {  	_ =	swait.ge [sflag:s26], $0x2800  }
0x2a: {  	[sflag:s26] =	ssyncset.done $0x0  }
0x2b: {  	s17 =	stileid.u32;
	s30 =	rddreg [dreg:$0x6];
	[sflag:s26] =	ssyncadd.s32 $0xFFFFD800  }
0x2c: {  	[spmem:s30] =	stream.linear.scatter [tilespmem:s7], [sflag:$0x6], $0x2800, $0x38;
	[tilespmem:$0x15900] =	vst v63  }
0x2d: {  	s5 =	sshll.u32 s17, $0x6;
	_ =	swait.ge [sflag:s28], $0x2800  }
0x2e: {  	s17 =	sor.u32 $0x1C09, s5;
	[sflag:s28] =	ssyncset.done $0x0  }
0x2f: {  	s25 =	sshrl.u32 s22, $0x3;
	s10 =	rddreg [dreg:$0xa];
	[sflag:s28] =	ssyncadd.s32 $0xFFFFD800  }
0x30: {  	[hbm:s10], [sflag:s17] =	dma.local [spmem:s25], $0x500  }
0x31: {  	s18 =	simm.s32 $0xF0;
	s21 =	simm.s32 $0x9100;
	[dreg:$0x15] =	wrdreg s17  }
0x32: {  	[tilespmem:s21], [sflag:$0x4] =	stream.indirect.gather [hbm4b:s1+s20], $0x80, s18, s20, $0xb8;
	[tilespmem:$0x15900] =	vst v63  }
0x33: {  	_ =	swait.ge [sflag:s31], $0x2800  }
0x34: {  	[sflag:s31] =	ssyncset.done $0x0  }
0x35: {  	s16 =	simm.s32 $0x6900;
	s10 =	rddreg [dreg:$0x7];
	[sflag:s31] =	ssyncadd.s32 $0xFFFFD800  }
0x36: {  	[spmem:s10] =	stream.linear.scatter [tilespmem:s16], [sflag:$0x7], $0x2800, $0x38;
	[tilespmem:$0x15900] =	vst v63  }
0x37: {  	_ =	swait.ge [sflag:s2], $0x2800  }
0x38: {  	s13 =	simm.s32 $0x140;
	s15 =	sshrl.u32 s30, $0x3;
	[sflag:s2] =	ssyncset.done $0x0  }
0x39: {  	s21 =	sor.u32 $0x1C0A, s5;
	s12 =	rddreg [dreg:$0xb];
	[sflag:s2] =	ssyncadd.s32 $0xFFFFD800  }
0x3a: {  	[hbm:s12], [sflag:s21] =	dma.local [spmem:s15], $0x500  }
0x3b: {  	[tilespmem:s23], [sflag:$0x1] =	stream.indirect.gather [hbm4b:s1+s20], $0x80, s13, s20, $0xb8;
	[tilespmem:$0x15900] =	vst v63  }
0x3c: {  	_ =	swait.ge [sflag:s24], $0x2800  }
0x3d: {  	[sflag:s24] =	ssyncset.done $0x0  }
0x3e: {  	s8 =	simm.s32 $0x9100;
	s12 =	rddreg [dreg:$0x8];
	[sflag:s24] =	ssyncadd.s32 $0xFFFFD800  }
0x3f: {  	[spmem:s12] =	stream.linear.scatter [tilespmem:s8], [sflag:$0x8], $0x2800, $0x38;
	[tilespmem:$0x15900] =	vst v63  }
0x40: {  	s6 =	sshrl.u32 s10, $0x3;
	_ =	swait.ge [sflag:s29], $0x2800  }
0x41: {  	s16 =	simm.s32 $0x4100;
	s13 =	simm.s32 $0x190;
	[sflag:s29] =	ssyncset.done $0x0  }
0x42: {  	s8 =	sor.u32 $0x1C0B, s5;
	s18 =	rddreg [dreg:$0xc];
	[sflag:s29] =	ssyncadd.s32 $0xFFFFD800  }
0x43: {  	[hbm:s18], [sflag:s8] =	dma.local [spmem:s6], $0x500  }
0x44: {  	[tilespmem:s16], [sflag:$0x2] =	stream.indirect.gather [hbm4b:s1+s20], $0x80, s13, s20, $0xb8;
	[tilespmem:$0x15900] =	vst v63  }
0x45: {  	_ =	swait.ge [sflag:s19], $0x2800  }
0x46: {  	[sflag:s19] =	ssyncset.done $0x0  }
0x47: {  	[sflag:s19] =	ssyncadd.s32 $0xFFFFD800  }
0x48: {  	_ =	swait.ge [sflag:s0], $0x500  }
0x49: {  	[sflag:s0] =	ssyncset.done $0x0  }
0x4a: {  	[sflag:s0] =	ssyncadd.s32 $0xFFFFFB00  }
0x4b: {  	[spmem:s22] =	stream.linear.scatter [tilespmem:s23], [sflag:$0x5], $0x2800, $0x38;
	[tilespmem:$0x15900] =	vst v63  }
0x4c: {  	_ =	swait.ge [sflag:s3], $0x2800  }
0x4d: {  	s7 =	sshrl.u32 s12, $0x3;
	[sflag:s3] =	ssyncset.done $0x0  }
0x4e: {  	s13 =	sor.u32 $0x1C0C, s5;
	s14 =	rddreg [dreg:$0xd];
	[sflag:s3] =	ssyncadd.s32 $0xFFFFD800  }
0x4f: {  	[hbm:s14], [sflag:s13] =	dma.local [spmem:s7], $0x500  }
0x50: {  	s18 =	simm.s32 $0x1E0;
	s14 =	simm.s32 $0x6900  }
0x51: {  	[tilespmem:s14], [sflag:$0x3] =	stream.indirect.gather [hbm4b:s1+s20], $0x80, s18, s20, $0xb8;
	[tilespmem:$0x15900] =	vst v63  }
0x52: {  	_ =	swait.ge [sflag:s26], $0x2800  }
0x53: {  	[sflag:s26] =	ssyncset.done $0x0  }
0x54: {  	[sflag:s26] =	ssyncadd.s32 $0xFFFFD800  }
0x55: {  	_ =	swait.ge [sflag:s4], $0x500  }
0x56: {  	[sflag:s4] =	ssyncset.done $0x0  }
0x57: {  	[sflag:s4] =	ssyncadd.s32 $0xFFFFFB00  }
0x58: {  	[spmem:s30] =	stream.linear.scatter [tilespmem:s16], [sflag:$0x6], $0x2800, $0x38;
	[tilespmem:$0x15900] =	vst v63  }
0x59: {  	_ =	swait.ge [sflag:s28], $0x2800  }
0x5a: {  	[sflag:s28] =	ssyncset.done $0x0  }
0x5b: {  	s16 =	rddreg [dreg:$0xe];
	[sflag:s28] =	ssyncadd.s32 $0xFFFFD800  }
0x5c: {  	[hbm:s16], [sflag:s17] =	dma.local [spmem:s25], $0x500  }
0x5d: {  	s16 =	simm.s32 $0x230;
	s17 =	simm.s32 $0x9100  }
0x5e: {  	[tilespmem:s17], [sflag:$0x4] =	stream.indirect.gather [hbm4b:s1+s20], $0x80, s16, s20, $0xb8;
	[tilespmem:$0x15900] =	vst v63  }
0x5f: {  	_ =	swait.ge [sflag:s31], $0x2800  }
0x60: {  	[sflag:s31] =	ssyncset.done $0x0  }
0x61: {  	[sflag:s31] =	ssyncadd.s32 $0xFFFFD800  }
0x62: {  	_ =	swait.ge [sflag:s9], $0x500  }
0x63: {  	[sflag:s9] =	ssyncset.done $0x0  }
0x64: {  	[sflag:s9] =	ssyncadd.s32 $0xFFFFFB00  }
0x65: {  	[spmem:s10] =	stream.linear.scatter [tilespmem:s14], [sflag:$0x7], $0x2800, $0x38;
	[tilespmem:$0x15900] =	vst v63  }
0x66: {  	_ =	swait.ge [sflag:s2], $0x2800  }
0x67: {  	[sflag:s2] =	ssyncset.done $0x0  }
0x68: {  	s5 =	rddreg [dreg:$0xf];
	[sflag:s2] =	ssyncadd.s32 $0xFFFFD800  }
0x69: {  	[hbm:s5], [sflag:s21] =	dma.local [spmem:s15], $0x500  }
0x6a: {  	s16 =	smov.u32 s15;
	s15 =	simm.s32 $0x280  }
0x6b: {  	[tilespmem:s23], [sflag:$0x1] =	stream.indirect.gather [hbm4b:s1+s20], $0x80, s15, s20, $0xb8;
	[tilespmem:$0x15900] =	vst v63  }
0x6c: {  	_ =	swait.ge [sflag:s24], $0x2800  }
0x6d: {  	[sflag:s24] =	ssyncset.done $0x0  }
0x6e: {  	[sflag:s24] =	ssyncadd.s32 $0xFFFFD800  }
0x6f: {  	_ =	swait.ge [sflag:s11], $0x500  }
0x70: {  	[sflag:s11] =	ssyncset.done $0x0  }
0x71: {  	[sflag:s11] =	ssyncadd.s32 $0xFFFFFB00  }
0x72: {  	[spmem:s12] =	stream.linear.scatter [tilespmem:s17], [sflag:$0x8], $0x2800, $0x38;
	[tilespmem:$0x15900] =	vst v63  }
0x73: {  	_ =	swait.ge [sflag:s29], $0x2800  }
0x74: {  	s18 =	simm.s32 $0x4100;
	s14 =	smov.u32 s21;
	[sflag:s29] =	ssyncset.done $0x0  }
0x75: {  	s5 =	simm.s32 $0x2D0;
	s21 =	rddreg [dreg:$0x13];
	[sflag:s29] =	ssyncadd.s32 $0xFFFFD800  }
0x76: {  	[hbm:s21], [sflag:s8] =	dma.local [spmem:s6], $0x500  }
0x77: {  	[tilespmem:s18], [sflag:$0x2] =	stream.indirect.gather [hbm4b:s1+s20], $0x80, s5, s20, $0xb8;
	[tilespmem:$0x15900] =	vst v63  }
0x78: {  	_ =	swait.ge [sflag:s19], $0x2800  }
0x79: {  	[sflag:s19] =	ssyncset.done $0x0  }
0x7a: {  	[sflag:s19] =	ssyncadd.s32 $0xFFFFD800  }
0x7b: {  	_ =	swait.ge [sflag:s0], $0x500  }
0x7c: {  	[sflag:s0] =	ssyncset.done $0x0  }
0x7d: {  	[sflag:s0] =	ssyncadd.s32 $0xFFFFFB00  }
0x7e: {  	[spmem:s22] =	stream.linear.scatter [tilespmem:s23], [sflag:$0x5], $0x2800, $0x38;
	[tilespmem:$0x15900] =	vst v63  }
0x7f: {  	_ =	swait.ge [sflag:s3], $0x2800  }
0x80: {  	[sflag:s3] =	ssyncset.done $0x0  }
0x81: {  	s19 =	sadd.s32 $0x500, s21;
	[sflag:s3] =	ssyncadd.s32 $0xFFFFD800  }
0x82: {  	[hbm:s19], [sflag:s13] =	dma.local [spmem:s7], $0x500  }
0x83: {  	s18 =	smov.u32 s13;
	s22 =	simm.s32 $0x320;
	s13 =	simm.s32 $0x6900  }
0x84: {  	[tilespmem:s13], [sflag:$0x3] =	stream.indirect.gather [hbm4b:s1+s20], $0x80, s22, s20, $0xb8;
	[tilespmem:$0x15900] =	vst v63  }
0x85: {  	_ =	swait.ge [sflag:s26], $0x2800  }
0x86: {  	[sflag:s26] =	ssyncset.done $0x0  }
0x87: {  	[sflag:s26] =	ssyncadd.s32 $0xFFFFD800  }
0x88: {  	_ =	swait.ge [sflag:s4], $0x500  }
0x89: {  	[sflag:s4] =	ssyncset.done $0x0  }
0x8a: {  	s15 =	smov.u32 s8;
	s8 =	simm.s32 $0x4100;
	[sflag:s4] =	ssyncadd.s32 $0xFFFFFB00  }
0x8b: {  	[spmem:s30] =	stream.linear.scatter [tilespmem:s8], [sflag:$0x6], $0x2800, $0x38;
	[tilespmem:$0x15900] =	vst v63  }
0x8c: {  	_ =	swait.ge [sflag:s28], $0x2800  }
0x8d: {  	s12 =	simm.s32 $0x9100;
	s22 =	simm.s32 $0x370;
	[sflag:s28] =	ssyncset.done $0x0  }
0x8e: {  	s8 =	sadd.s32 $0xA00, s21;
	s30 =	rddreg [dreg:$0x15];
	[sflag:s28] =	ssyncadd.s32 $0xFFFFD800  }
0x8f: {  	[hbm:s8], [sflag:s30] =	dma.local [spmem:s25], $0x500  }
0x90: {  	[tilespmem:s12], [sflag:$0x4] =	stream.indirect.gather [hbm4b:s1+s20], $0x80, s22, s20, $0xb8;
	[tilespmem:$0x15900] =	vst v63  }
0x91: {  	_ =	swait.ge [sflag:s31], $0x2800  }
0x92: {  	[sflag:s31] =	ssyncset.done $0x0  }
0x93: {  	[sflag:s31] =	ssyncadd.s32 $0xFFFFD800  }
0x94: {  	_ =	swait.ge [sflag:s9], $0x500  }
0x95: {  	s17 =	smov.u32 s6;
	s6 =	simm.s32 $0xA00;
	[sflag:s9] =	ssyncset.done $0x0  }
0x96: {  	s5 =	simm.s32 $0x140;
	s23 =	smov.u32 s7;
	[sflag:s9] =	ssyncadd.s32 $0xFFFFFB00  }
0x97: {  	[spmem:s10] =	stream.linear.scatter [tilespmem:s13], [sflag:$0x7], $0x2800, $0x38;
	[tilespmem:$0x15900] =	vst v63  }
0x98: {  	s19 =	smov.u32 s25;
	s7 =	smov.u32 s30;
	_ =	swait.ge [sflag:s2], $0x2800  }
0x99: {  	s12 =	sadd.s32 $0x1400, s21;
	s22 =	sadd.s32 $0xF00, s21;
	[sflag:s2] =	ssyncset.done $0x0  }
.LBB2_2:
0x9a: {  	[sflag:s2] =	ssyncadd.s32 $0xFFFFD800  }
0x9b: {  	[hbm:s22], [sflag:s14] =	dma.local [spmem:s16], $0x500  }
0x9c: {  	s25 =	sadd.s32 $0x280, s5;
	s22 =	simm.s32 $0x1900  }
0x9d: {  	[tilespmem:s22], [sflag:$0x1] =	stream.indirect.gather [hbm4b:s1+s20], $0x80, s25, s20, $0xb8;
	[tilespmem:$0x15900] =	vst v63  }
0x9e: {  	_ =	swait.ge [sflag:s24], $0x2800  }
0x9f: {  	[sflag:s24] =	ssyncset.done $0x0  }
0xa0: {  	[sflag:s24] =	ssyncadd.s32 $0xFFFFD800  }
0xa1: {  	_ =	swait.ge [sflag:s11], $0x500  }
0xa2: {  	[sflag:s11] =	ssyncset.done $0x0  }
0xa3: {  	s13 =	simm.s32 $0x9100;
	s25 =	rddreg [dreg:$0x8];
	[sflag:s11] =	ssyncadd.s32 $0xFFFFFB00  }
0xa4: {  	[spmem:s25] =	stream.linear.scatter [tilespmem:s13], [sflag:$0x8], $0x2800, $0x38;
	[tilespmem:$0x15900] =	vst v63  }
0xa5: {  	_ =	swait.ge [sflag:s29], $0x2800  }
0xa6: {  	[sflag:s29] =	ssyncset.done $0x0  }
0xa7: {  	s30 =	sadd.s32 $0x2D0, s5;
	s25 =	simm.s32 $0x4100;
	[sflag:s29] =	ssyncadd.s32 $0xFFFFD800  }
0xa8: {  	[hbm:s12], [sflag:s15] =	dma.local [spmem:s17], $0x500  }
0xa9: {  	[tilespmem:s25], [sflag:$0x2] =	stream.indirect.gather [hbm4b:s1+s20], $0x80, s30, s20, $0xb8;
	[tilespmem:$0x15900] =	vst v63  }
0xaa: {  	s30 =	simm.s32 $0x1  }
0xab: {  	_ =	swait.ge [sflag:s30], $0x2800  }
0xac: {  	[sflag:s30] =	ssyncset.done $0x0  }
0xad: {  	[sflag:s30] =	ssyncadd.s32 $0xFFFFD800  }
0xae: {  	_ =	swait.ge [sflag:s0], $0x500  }
0xaf: {  	[sflag:s0] =	ssyncset.done $0x0  }
0xb0: {  	s30 =	rddreg [dreg:$0x5];
	[sflag:s0] =	ssyncadd.s32 $0xFFFFFB00  }
0xb1: {  	[spmem:s30] =	stream.linear.scatter [tilespmem:s22], [sflag:$0x5], $0x2800, $0x38;
	[tilespmem:$0x15900] =	vst v63  }
0xb2: {  	_ =	swait.ge [sflag:s3], $0x2800  }
0xb3: {  	[sflag:s3] =	ssyncset.done $0x0  }
0xb4: {  	s30 =	sadd.s32 $0x500, s12;
	[sflag:s3] =	ssyncadd.s32 $0xFFFFD800  }
0xb5: {  	[hbm:s30], [sflag:s18] =	dma.local [spmem:s23], $0x500  }
0xb6: {  	s22 =	sadd.s32 $0x320, s5;
	s30 =	simm.s32 $0x6900  }
0xb7: {  	[tilespmem:s30], [sflag:$0x3] =	stream.indirect.gather [hbm4b:s1+s20], $0x80, s22, s20, $0xb8;
	[tilespmem:$0x15900] =	vst v63  }
0xb8: {  	_ =	swait.ge [sflag:s26], $0x2800  }
0xb9: {  	[sflag:s26] =	ssyncset.done $0x0  }
0xba: {  	[sflag:s26] =	ssyncadd.s32 $0xFFFFD800  }
0xbb: {  	_ =	swait.ge [sflag:s4], $0x500  }
0xbc: {  	[sflag:s4] =	ssyncset.done $0x0  }
0xbd: {  	s22 =	rddreg [dreg:$0x6];
	[sflag:s4] =	ssyncadd.s32 $0xFFFFFB00  }
0xbe: {  	[spmem:s22] =	stream.linear.scatter [tilespmem:s25], [sflag:$0x6], $0x2800, $0x38;
	[tilespmem:$0x15900] =	vst v63  }
0xbf: {  	_ =	swait.ge [sflag:s28], $0x2800  }
0xc0: {  	[sflag:s28] =	ssyncset.done $0x0  }
0xc1: {  	s25 =	sadd.s32 $0xA00, s12;
	s22 =	sadd.s32 $0x370, s5;
	[sflag:s28] =	ssyncadd.s32 $0xFFFFD800  }
0xc2: {  	[hbm:s25], [sflag:s7] =	dma.local [spmem:s19], $0x500  }
0xc3: {  	[tilespmem:s13], [sflag:$0x4] =	stream.indirect.gather [hbm4b:s1+s20], $0x80, s22, s20, $0xb8;
	[tilespmem:$0x15900] =	vst v63  }
0xc4: {  	_ =	swait.ge [sflag:s31], $0x2800  }
0xc5: {  	[sflag:s31] =	ssyncset.done $0x0  }
0xc6: {  	[sflag:s31] =	ssyncadd.s32 $0xFFFFD800  }
0xc7: {  	s8 =	smov.u32 s6;
	p0 =	sne.s32 s6, $0x5500;
	_ =	swait.ge [sflag:s9], $0x500  }
.Ltmp0:
0xc8: {  	s21 =	sadd.s32 $0x500, s6;
	[sflag:s9] =	ssyncset.done $0x0;
	(pc) =	sbr.rel @p0 .LBB2_2-.Ltmp0, $4  }
0xc9: {  	s10 =	smov.u32 s12;
	s25 =	rddreg [dreg:$0x7];
	[sflag:s9] =	ssyncadd.s32 $0xFFFFFB00  }
0xca: {  	[spmem:s25] =	stream.linear.scatter [tilespmem:s30], [sflag:$0x7], $0x2800, $0x38;
	[tilespmem:$0x15900] =	vst v63  }
0xcb: {  	s6 =	smov.u32 s21;
	s12 =	sadd.s32 $0x1400, s12;
	_ =	swait.ge [sflag:s2], $0x2800  }
0xcc: {  	s5 =	sshra.s32 s8, $0x2;
	s22 =	sadd.s32 $0xF00, s10;
	[sflag:s2] =	ssyncset.done $0x0  }
0xcd: {  	[sflag:s2] =	ssyncadd.s32 $0xFFFFD800;
	s6 =	sadd.s32 $0x280, s5;
	s10 =	simm.s32 $0x1900  }
0xce: {  	[hbm:s22], [sflag:s14] =	dma.local [spmem:s16], $0x500  }
0xcf: {  	[tilespmem:s10], [sflag:$0x1] =	stream.indirect.gather [hbm4b:s1+s20], $0x80, s6, s20, $0xb8;
	[tilespmem:$0x15900] =	vst v63  }
0xd0: {  	_ =	swait.ge [sflag:s24], $0x2800  }
0xd1: {  	[sflag:s24] =	ssyncset.done $0x0  }
0xd2: {  	[sflag:s24] =	ssyncadd.s32 $0xFFFFD800  }
0xd3: {  	_ =	swait.ge [sflag:s11], $0x500  }
0xd4: {  	[sflag:s11] =	ssyncset.done $0x0  }
0xd5: {  	s13 =	simm.s32 $0x9100;
	s8 =	rddreg [dreg:$0x8];
	[sflag:s11] =	ssyncadd.s32 $0xFFFFFB00  }
0xd6: {  	[spmem:s8] =	stream.linear.scatter [tilespmem:s13], [sflag:$0x8], $0x2800, $0x38;
	[tilespmem:$0x15900] =	vst v63  }
0xd7: {  	_ =	swait.ge [sflag:s29], $0x2800  }
0xd8: {  	s30 =	sadd.s32 $0x2D0, s5;
	[sflag:s29] =	ssyncset.done $0x0  }
0xd9: {  	s21 =	simm.s32 $0x4100;
	s22 =	simm.s32 $0x1;
	[sflag:s29] =	ssyncadd.s32 $0xFFFFD800  }
0xda: {  	[hbm:s12], [sflag:s15] =	dma.local [spmem:s17], $0x500  }
0xdb: {  	[tilespmem:s21], [sflag:$0x2] =	stream.indirect.gather [hbm4b:s1+s20], $0x80, s30, s20, $0xb8;
	[tilespmem:$0x15900] =	vst v63  }
0xdc: {  	_ =	swait.ge [sflag:s22], $0x2800  }
0xdd: {  	[sflag:s22] =	ssyncset.done $0x0  }
0xde: {  	[sflag:s22] =	ssyncadd.s32 $0xFFFFD800  }
0xdf: {  	_ =	swait.ge [sflag:s0], $0x500  }
0xe0: {  	[sflag:s0] =	ssyncset.done $0x0  }
0xe1: {  	s25 =	rddreg [dreg:$0x5];
	[sflag:s0] =	ssyncadd.s32 $0xFFFFFB00  }
0xe2: {  	[spmem:s25] =	stream.linear.scatter [tilespmem:s10], [sflag:$0x5], $0x2800, $0x38;
	[tilespmem:$0x15900] =	vst v63  }
0xe3: {  	_ =	swait.ge [sflag:s3], $0x2800  }
0xe4: {  	s30 =	sadd.s32 $0x500, s12;
	[sflag:s3] =	ssyncset.done $0x0  }
0xe5: {  	s22 =	simm.s32 $0x6900;
	s10 =	sadd.s32 $0x320, s5;
	[sflag:s3] =	ssyncadd.s32 $0xFFFFD800  }
0xe6: {  	[hbm:s30], [sflag:s18] =	dma.local [spmem:s23], $0x500  }
0xe7: {  	[tilespmem:s22], [sflag:$0x3] =	stream.indirect.gather [hbm4b:s1+s20], $0x80, s10, s20, $0xb8;
	[tilespmem:$0x15900] =	vst v63  }
0xe8: {  	_ =	swait.ge [sflag:s26], $0x2800  }
0xe9: {  	[sflag:s26] =	ssyncset.done $0x0  }
0xea: {  	[sflag:s26] =	ssyncadd.s32 $0xFFFFD800  }
0xeb: {  	_ =	swait.ge [sflag:s4], $0x500  }
0xec: {  	[sflag:s4] =	ssyncset.done $0x0  }
0xed: {  	s25 =	rddreg [dreg:$0x6];
	[sflag:s4] =	ssyncadd.s32 $0xFFFFFB00  }
0xee: {  	[spmem:s25] =	stream.linear.scatter [tilespmem:s21], [sflag:$0x6], $0x2800, $0x38;
	[tilespmem:$0x15900] =	vst v63  }
0xef: {  	_ =	swait.ge [sflag:s28], $0x2800  }
0xf0: {  	[sflag:s28] =	ssyncset.done $0x0  }
0xf1: {  	s6 =	sadd.s32 $0x370, s5;
	s30 =	sadd.s32 $0xA00, s12;
	[sflag:s28] =	ssyncadd.s32 $0xFFFFD800  }
0xf2: {  	[hbm:s30], [sflag:s7] =	dma.local [spmem:s19], $0x500  }
0xf3: {  	[tilespmem:s13], [sflag:$0x4] =	stream.indirect.gather [hbm4b:s1+s20], $0x80, s6, s20, $0xb8;
	[tilespmem:$0x15900] =	vst v63  }
0xf4: {  	_ =	swait.ge [sflag:s31], $0x2800  }
0xf5: {  	[sflag:s31] =	ssyncset.done $0x0  }
0xf6: {  	[sflag:s31] =	ssyncadd.s32 $0xFFFFD800  }
0xf7: {  	_ =	swait.ge [sflag:s9], $0x500  }
0xf8: {  	[sflag:s9] =	ssyncset.done $0x0  }
0xf9: {  	s7 =	rddreg [dreg:$0x7];
	[sflag:s9] =	ssyncadd.s32 $0xFFFFFB00  }
0xfa: {  	[spmem:s7] =	stream.linear.scatter [tilespmem:s22], [sflag:$0x7], $0x2800, $0x38;
	[tilespmem:$0x15900] =	vst v63  }
0xfb: {  	_ =	swait.ge [sflag:s2], $0x2800  }
0xfc: {  	[sflag:s2] =	ssyncset.done $0x0  }
0xfd: {  	s19 =	sadd.s32 $0xF00, s12;
	[sflag:s2] =	ssyncadd.s32 $0xFFFFD800  }
0xfe: {  	[hbm:s19], [sflag:s14] =	dma.local [spmem:s16], $0x500  }
0xff: {  	_ =	swait.ge [sflag:s24], $0x2800  }
0x100: {  	[sflag:s24] =	ssyncset.done $0x0  }
0x101: {  	[sflag:s24] =	ssyncadd.s32 $0xFFFFD800  }
0x102: {  	_ =	swait.ge [sflag:s11], $0x500  }
0x103: {  	[sflag:s11] =	ssyncset.done $0x0  }
0x104: {  	[sflag:s11] =	ssyncadd.s32 $0xFFFFFB00  }
0x105: {  	[spmem:s8] =	stream.linear.scatter [tilespmem:s13], [sflag:$0x8], $0x2800, $0x38;
	[tilespmem:$0x15900] =	vst v63  }
0x106: {  	_ =	swait.ge [sflag:s29], $0x2800  }
0x107: {  	[sflag:s29] =	ssyncset.done $0x0  }
0x108: {  	s21 =	rddreg [dreg:$0x10];
	[sflag:s29] =	ssyncadd.s32 $0xFFFFD800  }
0x109: {  	[hbm:s21], [sflag:s15] =	dma.local [spmem:s17], $0x500  }
0x10a: {  	_ =	swait.ge [sflag:s3], $0x2800  }
0x10b: {  	[sflag:s3] =	ssyncset.done $0x0  }
0x10c: {  	s22 =	rddreg [dreg:$0x11];
	[sflag:s3] =	ssyncadd.s32 $0xFFFFD800  }
0x10d: {  	[hbm:s22], [sflag:s18] =	dma.local [spmem:s23], $0x500  }
0x10e: {  	_ =	swait.ge [sflag:s0], $0x500  }
0x10f: {  	[sflag:s0] =	ssyncset.done $0x0  }
0x110: {  	[sflag:s0] =	ssyncadd.s32 $0xFFFFFB00  }
0x111: {  	_ =	swait.ge [sflag:s4], $0x500  }
0x112: {  	[sflag:s4] =	ssyncset.done $0x0  }
0x113: {  	[sflag:s4] =	ssyncadd.s32 $0xFFFFFB00  }
0x114: {  	_ =	swait.ge [sflag:s9], $0x500  }
0x115: {  	[sflag:s9] =	ssyncset.done $0x0  }
0x116: {  	[sflag:s9] =	ssyncadd.s32 $0xFFFFFB00  }
0x117: {  	_ =	swait.ge [sflag:s11], $0x500  }
0x118: {  	s25 =	rddreg [dreg:$0x14]  }
0x119: {  	s30 =	rddreg [dreg:$0x12];
	s6 =	sadd.s32 $0x1, s25  }
0x11a: {  	p0 =	sne.s32 s6, s30  }
.Ltmp1:
0x11b: {  	_ = 	snop;
	(pc) =	sbr.rel @p0 .LBB2_1-.Ltmp1, $3  }
0x11c: {  	_ =	sdelay $0x1  }
0x11d: {  	[sflag:s11] =	ssyncset.done $0x0  }
0x11e: {  	[sflag:s11] =	ssyncadd.s32 $0xFFFFFB00  }
0x11f: {  	_ =	sfence.sel $0x180000  }
0x120: {  	[bflag:$0x0] =	sbarrier.arrive $0xFFFF  }
0x121: {  	_ =	strace $0x90000047  }
0x122: {  	s0 =	stileid.u32;
	[bflag:$0x2] =	sbarrier.arrive $0xFFFF  }
0x123: {  	p0 =	sne.s32 s0, $0x0;
	s0 =	rddreg [dreg:$0x4]  }
0x124: {  	s0 =	sadd.s32 @!p0 $0x100000, s0  }
0x125: {  	[sflag:s0] =	ssyncadd.tile.s32 @!p0 $0x1;
	_ =	shalt  }
.Lfunc_end2:
_tile_overlayer_lowered:
.L_overlay_start_2:
0x126: {  	(tag) =	ssettag $0x2  }
0x127: {  	s0 =	rddreg [dreg:$0x0];
	s2 =	stileid.u32  }
0x128: {  	s1 =	rddreg [dreg:$0x1];
	p0 =	sne.s32 s2, $0x0  }
0x129: {  	s3 =	rddreg [dreg:$0x2];
	[bflag:$0x3] =	sbarrier.arrive $0xFFFF;
	s2 =	simm.s32 @!p0 $0x1C0D  }
0x12a: {  	[timem:s3], [sflag:s2] =	dma.local @!p0 [hbm:s0], s1  }
0x12b: {  	s0 =	simm.s32 @!p0 $0xD  }
0x12c: {  	_ =	swait.ge @!p0 [sflag:s0], s1  }
0x12d: {  	s1 =	ssub.s32 @!p0 $0x0, s1;
	[sflag:s0] =	ssyncset.done @!p0 $0x0  }
0x12e: {  	[sflag:s0] =	ssyncadd.s32 @!p0 s1  }
0x12f: {  	[bflag:$0x3] =	sbarrier.arrive $0xFFFF  }
0x130: {  	_ =	shalt  }

</sc_bundles>
